<compile_context>
chip_gen: v7x
topology: tpu7x:2x2x1
jax: 0.10.2.dev20260603
libtpu: 0.0.44.dev20260713+nightly
codegen_flags: <defaults>
</compile_context>

<pallas_src>
import functools
import math

import jax
import jax.numpy as jnp
import numpy as np
from jax import lax
from jax.experimental import pallas as pl
from jax.experimental.pallas import tpu as pltpu
from jax.experimental.pallas import tpu_sc as plsc

_B, _S, _D, _FF, _E, _TOP_K = 32, 1, 1024, 4096, 8, 2
_LB_COEF = 0.01
_FFT = 1024
_NJ = _FF // _FFT
_L = 16
_NEG = -1e30

_INV_SQRT2 = 1.0 / math.sqrt(2.0)


def _round_bf16(v):
    u = lax.bitcast_convert_type(v, jnp.uint32)
    r = (u + jnp.uint32(0x7FFF) + ((u >> 16) & jnp.uint32(1))) \
        & jnp.uint32(0xFFFF0000)
    return lax.bitcast_convert_type(r, jnp.float32)


def _gate_sc_body(x_hbm, gw_hbm, w_hbm, p_hbm, m_hbm,
                  xv, gwv, wrow, prow, mrow):
    c = lax.axis_index("c")
    s = lax.axis_index("s")
    t = s * 2 + c
    pltpu.sync_copy(x_hbm.at[t], xv)
    pltpu.sync_copy(gw_hbm, gwv)

    iota = lax.iota(jnp.int32, _L)
    logits = jnp.full((_L,), _NEG, dtype=jnp.float32)
    for e in range(_E):
        def body(i, acc):
            xa = _round_bf16(xv[pl.ds(i * _L, _L)])
            ga = _round_bf16(gwv[e, pl.ds(i * _L, _L)])
            return acc + xa * ga
        acc = lax.fori_loop(0, _D // _L, body,
                            jnp.zeros((_L,), jnp.float32))
        se = jnp.sum(acc)
        logits = jnp.where(iota == e, se, logits)

    m1 = jnp.max(logits)
    i1 = jnp.min(jnp.where(logits == m1, iota, _L))
    msk1 = iota == i1
    l2 = jnp.where(msk1, _NEG, logits)
    m2 = jnp.max(l2)
    i2 = jnp.min(jnp.where(l2 == m2, iota, _L))
    msk2 = iota == i2
    pv = jnp.exp(logits - m1)
    pn = pv / jnp.sum(pv)
    msk12 = msk1 | msk2
    s2 = jnp.sum(jnp.where(msk12, pn, 0.0))
    wrow[...] = jnp.where(msk12, pn / s2, 0.0)
    prow[...] = pn
    mrow[...] = jnp.where(msk12, 1.0, 0.0)
    pltpu.sync_copy(wrow, w_hbm.at[t])
    pltpu.sync_copy(prow, p_hbm.at[t])
    pltpu.sync_copy(mrow, m_hbm.at[t])


_gate_sc = functools.partial(
    pl.kernel,
    out_type=[
        jax.ShapeDtypeStruct((_B, _L), jnp.float32),
        jax.ShapeDtypeStruct((_B, _L), jnp.float32),
        jax.ShapeDtypeStruct((_B, _L), jnp.float32),
    ],
    mesh=plsc.VectorSubcoreMesh(core_axis_name="c", subcore_axis_name="s"),
    scratch_types=[
        pltpu.VMEM((_D,), jnp.float32),
        pltpu.VMEM((_E, _D), jnp.float32),
        pltpu.VMEM((_L,), jnp.float32),
        pltpu.VMEM((_L,), jnp.float32),
        pltpu.VMEM((_L,), jnp.float32),
    ],
    compiler_params=pltpu.CompilerParams(needs_layout_passes=False),
)(_gate_sc_body)


def _moe_body(x_ref, w_ref, p_ref, m_ref, fc1w_ref, fc1b_ref, fc2w_ref,
              fc2b_ref, out_ref, aux_ref):
    e = pl.program_id(0)
    j = pl.program_id(1)

    @pl.when((e == 0) & (j == 0))
    def _gate():
        load = jnp.mean(m_ref[...], axis=0, keepdims=True)
        imp = jnp.mean(p_ref[...], axis=0, keepdims=True)
        aux_ref[...] = _LB_COEF * _E * jnp.sum(load * imp, axis=1,
                                               keepdims=True)
        out_ref[...] = jnp.zeros_like(out_ref)

    xb = x_ref[...].astype(jnp.bfloat16)
    h = jax.lax.dot_general(
        xb, fc1w_ref[0].astype(jnp.bfloat16), (((1,), (1,)), ((), ())),
        preferred_element_type=jnp.float32)
    h = h + fc1b_ref[0, 0, 0]
    h = 0.5 * h * (1.0 + jax.lax.erf(h * _INV_SQRT2))
    part = jax.lax.dot_general(
        h.astype(jnp.bfloat16), fc2w_ref[0].astype(jnp.bfloat16),
        (((1,), (1,)), ((), ())),
        preferred_element_type=jnp.float32)

    lane_e = jax.lax.broadcasted_iota(jnp.int32, (_B, _E), 1)
    we = jnp.sum(jnp.where(lane_e == e, w_ref[...], 0.0), axis=1,
                 keepdims=True)
    out_ref[...] += we * part

    @pl.when(j == 0)
    def _bias2():
        out_ref[...] += we * fc2b_ref[0]


@jax.jit
def _moe(x2, gate_w, fc1_w, fc1b_r, fc2_w, fc2b_r):
    wfull, pfull, mfull = _gate_sc(x2, gate_w)
    w8 = wfull[:, :_E]
    p8 = pfull[:, :_E]
    m8 = mfull[:, :_E]
    out, aux = pl.pallas_call(
        _moe_body,
        grid=(_E, _NJ),
        in_specs=[
            pl.BlockSpec((_B, _D), lambda e, j: (0, 0)),
            pl.BlockSpec((_B, _E), lambda e, j: (0, 0)),
            pl.BlockSpec((_B, _E), lambda e, j: (0, 0)),
            pl.BlockSpec((_B, _E), lambda e, j: (0, 0)),
            pl.BlockSpec((1, _FFT, _D), lambda e, j: (e, j, 0)),
            pl.BlockSpec((1, 1, 1, _FFT), lambda e, j: (e, j, 0, 0)),
            pl.BlockSpec((1, _D, _FFT), lambda e, j: (e, 0, j)),
            pl.BlockSpec((1, 1, _D), lambda e, j: (e, 0, 0)),
        ],
        out_specs=[
            pl.BlockSpec((_B, _D), lambda e, j: (0, 0)),
            pl.BlockSpec((1, 1), lambda e, j: (0, 0)),
        ],
        out_shape=[
            jax.ShapeDtypeStruct((_B, _D), jnp.float32),
            jax.ShapeDtypeStruct((1, 1), jnp.float32),
        ],
    )(x2, w8, p8, m8, fc1_w, fc1b_r, fc2_w, fc2b_r)
    return out, aux


def kernel(x, gate_w, fc1_w, fc1_b, fc2_w, fc2_b):
    x2 = x.reshape(_B * _S, _D)
    fc1b_r = fc1_b.reshape(_E, _NJ, 1, _FFT)
    fc2b_r = fc2_b.reshape(_E, 1, _D)
    out, aux = _moe(x2, gate_w, fc1_w, fc1b_r, fc2_w, fc2b_r)
    return out.reshape(_B, _S, _D), aux.reshape(())

# --- scband reference (transcript-rebuilt; emitter-appended) ---
"""Pipeline reference for scband-mo-efeed-forward-72318659330258 (READ-ONLY COPY).

The authoritative reference and input builder live on the scoring server;
editing this copy changes nothing except your own understanding.
"""

import jax, jax.numpy as jnp
import numpy as np

B, S, D, FF, E, TOP_K = 32, 1, 1024, 4096, 8, 2
LB_COEF = 0.01


def setup_inputs(seed: int = 0) -> dict:
    key = jax.random.key(seed)
    ks = jax.random.split(key, 6)
    x = jax.random.normal(ks[0], (B, S, D), dtype=jnp.float32)
    gate_w = jax.random.normal(ks[1], (E, D), dtype=jnp.float32) * (1.0 / np.sqrt(D))
    fc1_w = jax.random.normal(ks[2], (E, FF, D), dtype=jnp.float32) * (1.0 / np.sqrt(D))
    fc1_b = jax.random.normal(ks[3], (E, FF), dtype=jnp.float32) * 0.01
    fc2_w = jax.random.normal(ks[4], (E, D, FF), dtype=jnp.float32) * (1.0 / np.sqrt(FF))
    fc2_b = jax.random.normal(ks[5], (E, D), dtype=jnp.float32) * 0.01
    return {"x": x, "gate_w": gate_w, "fc1_w": fc1_w, "fc1_b": fc1_b, "fc2_w": fc2_w, "fc2_b": fc2_b}


def reference(x, gate_w, fc1_w, fc1_b, fc2_w, fc2_b):
    # gate: Linear(d_model, n_experts, bias=False)
    gate_logits = jnp.einsum('bsd,ed->bse', x, gate_w)
    gate_probs = jax.nn.softmax(gate_logits, axis=-1)
    topk_logits, topk_idx = jax.lax.top_k(gate_logits, TOP_K)
    topk_weights = jax.nn.softmax(topk_logits, axis=-1)
    # all experts computed densely (dropout=0.0 -> identity)
    h = jnp.einsum('bsd,efd->bsef', x, fc1_w) + fc1_b[None, None, :, :]
    h = jax.nn.gelu(h, approximate=False)
    expert_outputs = jnp.einsum('bsef,edf->bsed', h, fc2_w) + fc2_b[None, None, :, :]
    b, s, k = topk_idx.shape
    d = x.shape[-1]
    idx = jnp.broadcast_to(topk_idx[..., None], (b, s, k, d))
    selected = jnp.take_along_axis(expert_outputs, idx, axis=2)
    output = (selected * topk_weights[..., None]).sum(axis=2)
    expert_one_hot = jax.nn.one_hot(topk_idx, E, dtype=gate_probs.dtype)
    expert_load = expert_one_hot.sum(axis=2).mean(axis=(0, 1))
    expert_importance = gate_probs.mean(axis=(0, 1))
    aux_loss = LB_COEF * (E * jnp.sum(expert_load * expert_importance))
    return output, aux_loss

if __name__ == "__main__":
    import jax
    _d = setup_inputs()
    print(jax.jit(kernel)(*tuple(_d.values())))

</pallas_src>

<mosaic_0001>
#map = affine_map<(d0, d1) -> (0, 0)>
module attributes {stable_mosaic.version = 14 : i64} {
  func.func @_gate_sc_body(%arg0: i32, %arg1: i32, %arg2: memref<32x1024xf32, #tpu.memory_space<hbm>>, %arg3: memref<8x1024xf32, #tpu.memory_space<hbm>>, %arg4: memref<32x16xf32, #tpu.memory_space<hbm>>, %arg5: memref<32x16xf32, #tpu.memory_space<hbm>>, %arg6: memref<32x16xf32, #tpu.memory_space<hbm>>, %arg7: memref<1024xf32, #tpu.memory_space<vmem>>, %arg8: memref<8x1024xf32, #tpu.memory_space<vmem>>, %arg9: memref<16xf32, #tpu.memory_space<vmem>>, %arg10: memref<16xf32, #tpu.memory_space<vmem>>, %arg11: memref<16xf32, #tpu.memory_space<vmem>>) attributes {dimension_semantics = [#tpu.dimension_semantics<core_parallel>, #tpu.dimension_semantics<subcore_parallel>], iteration_bounds = array<i64: 2, 16>, scalar_prefetch = 0 : i64, scratch_operands = 5 : i64, tpu.core_type = #tpu.core_type<sc_vector_subcore>, window_params = [{transform_indices = #map}, {transform_indices = #map}, {transform_indices = #map}, {transform_indices = #map}, {transform_indices = #map}]} {
    %mul3A = arith.constant 2 : i32
    %mul3A_0 = arith.muli %arg1, %mul3A : i32
    %add3A = arith.addi %mul3A_0, %arg0 : i32
    "tpu.region"() ({
      %run_scoped3A = tpu.sem_alloc : memref<!tpu.dma_semaphore, #tpu.memory_space<semaphore_mem>>
      %dma_start3A = arith.constant 0 : i32
      %dma_start3A_200 = tpu.memref_slice %arg2[%add3A, %dma_start3A] : memref<32x1024xf32, #tpu.memory_space<hbm>> -> memref<1x1024xf32, #tpu.memory_space<hbm>>
      %dma_start3A_201 = tpu.memref_squeeze %dma_start3A_200 : memref<1x1024xf32, #tpu.memory_space<hbm>> -> memref<1024xf32, #tpu.memory_space<hbm>>
      %dma_start3A_202 = arith.constant 0 : i32
      %dma_start3A_203 = tpu.memref_slice %arg2[%add3A, %dma_start3A_202] : memref<32x1024xf32, #tpu.memory_space<hbm>> -> memref<1x1024xf32, #tpu.memory_space<hbm>>
      %dma_start3A_204 = tpu.memref_squeeze %dma_start3A_203 : memref<1x1024xf32, #tpu.memory_space<hbm>> -> memref<1024xf32, #tpu.memory_space<hbm>>
      tpu.enqueue_dma source(%dma_start3A_204 : memref<1024xf32, #tpu.memory_space<hbm>>) target(%arg7 : memref<1024xf32, #tpu.memory_space<vmem>>) target_semaphore(%run_scoped3A : memref<!tpu.dma_semaphore, #tpu.memory_space<semaphore_mem>>)
      %dma_wait3A = arith.constant 0 : i32
      %dma_wait3A_205 = tpu.memref_slice %arg2[%add3A, %dma_wait3A] : memref<32x1024xf32, #tpu.memory_space<hbm>> -> memref<1x1024xf32, #tpu.memory_space<hbm>>
      %dma_wait3A_206 = tpu.memref_squeeze %dma_wait3A_205 : memref<1x1024xf32, #tpu.memory_space<hbm>> -> memref<1024xf32, #tpu.memory_space<hbm>>
      %dma_wait3A_207 = arith.constant 0 : i32
      %dma_wait3A_208 = tpu.memref_slice %arg2[%add3A, %dma_wait3A_207] : memref<32x1024xf32, #tpu.memory_space<hbm>> -> memref<1x1024xf32, #tpu.memory_space<hbm>>
      %dma_wait3A_209 = tpu.memref_squeeze %dma_wait3A_208 : memref<1x1024xf32, #tpu.memory_space<hbm>> -> memref<1024xf32, #tpu.memory_space<hbm>>
      tpu.wait_dma2 semaphore(%run_scoped3A : memref<!tpu.dma_semaphore, #tpu.memory_space<semaphore_mem>>) src(%dma_wait3A_209 : memref<1024xf32, #tpu.memory_space<hbm>>) dst(%arg7 : memref<1024xf32, #tpu.memory_space<vmem>>)
      tpu.yield
    }) : () -> ()
    "tpu.region"() ({
      %run_scoped3A = tpu.sem_alloc : memref<!tpu.dma_semaphore, #tpu.memory_space<semaphore_mem>>
      tpu.enqueue_dma source(%arg3 : memref<8x1024xf32, #tpu.memory_space<hbm>>) target(%arg8 : memref<8x1024xf32, #tpu.memory_space<vmem>>) target_semaphore(%run_scoped3A : memref<!tpu.dma_semaphore, #tpu.memory_space<semaphore_mem>>)
      tpu.wait_dma2 semaphore(%run_scoped3A : memref<!tpu.dma_semaphore, #tpu.memory_space<semaphore_mem>>) src(%arg3 : memref<8x1024xf32, #tpu.memory_space<hbm>>) dst(%arg8 : memref<8x1024xf32, #tpu.memory_space<vmem>>)
      tpu.yield
    }) : () -> ()
    %iota3A = tpu.iota {dimensions = array<i32: 0>} : vector<16xi32>
    %broadcast_in_dim3A = arith.constant -1.000000e+30 : f32
    %broadcast_in_dim3A_1 = vector.broadcast %broadcast_in_dim3A : f32 to vector<16xf32>
    %broadcast_in_dim3A_2 = arith.constant 0.000000e+00 : f32
    %broadcast_in_dim3A_3 = vector.broadcast %broadcast_in_dim3A_2 : f32 to vector<16xf32>
    %scan3A = arith.constant 0 : i32
    %scan3A_4 = arith.constant 64 : i32
    %scan3A_5 = arith.addi %scan3A, %scan3A_4 : i32
    %scan3A_6 = arith.constant 1 : i32
    %scan3A_7 = scf.for %scan3A_200 = %scan3A to %scan3A_5 step %scan3A_6 iter_args(%scan3A_201 = %broadcast_in_dim3A_3) -> (vector<16xf32>)  : i32 {
      %mul3A_202 = arith.constant 16 : i32
      %mul3A_203 = arith.muli %scan3A_200, %mul3A_202 : i32
      %get3A = arith.index_cast %mul3A_203 : i32 to index
      %get3A_204 = tpu.vector_load %arg7[%get3A] {strides = array<i32>} : memref<1024xf32, #tpu.memory_space<vmem>>, vector<16xf32>,
      %bitcast_convert_type3A = tpu.bitcast %get3A_204 : vector<16xf32> -> vector<16xi32>
      %add3A_205 = arith.constant 32767 : i32
      %add3A_206 = vector.broadcast %add3A_205 : i32 to vector<16xi32>
      %add3A_207 = arith.addi %bitcast_convert_type3A, %add3A_206 : vector<16xi32>
      %shift_right_logical3A = arith.constant 16 : i32
      %shift_right_logical3A_208 = vector.broadcast %shift_right_logical3A : i32 to vector<16xi32>
      %shift_right_logical3A_209 = arith.shrui %bitcast_convert_type3A, %shift_right_logical3A_208 : vector<16xi32>
      %and3A = arith.constant 1 : i32
      %and3A_210 = vector.broadcast %and3A : i32 to vector<16xi32>
      %and3A_211 = arith.andi %shift_right_logical3A_209, %and3A_210 : vector<16xi32>
      %add3A_212 = arith.addi %add3A_207, %and3A_211 : vector<16xi32>
      %and3A_213 = arith.constant -65536 : i32
      %and3A_214 = vector.broadcast %and3A_213 : i32 to vector<16xi32>
      %and3A_215 = arith.andi %add3A_212, %and3A_214 : vector<16xi32>
      %bitcast_convert_type3A_216 = tpu.bitcast %and3A_215 : vector<16xi32> -> vector<16xf32>
      %mul3A_217 = arith.constant 16 : i32
      %mul3A_218 = arith.muli %scan3A_200, %mul3A_217 : i32
      %get3A_219 = arith.constant 0 : i32
      %get3A_220 = arith.index_cast %get3A_219 : i32 to index
      %get3A_221 = arith.index_cast %mul3A_218 : i32 to index
      %get3A_222 = tpu.vector_load %arg8[%get3A_220, %get3A_221] {strides = array<i32>} : memref<8x1024xf32, #tpu.memory_space<vmem>>, vector<16xf32>,
      %bitcast_convert_type3A_223 = tpu.bitcast %get3A_222 : vector<16xf32> -> vector<16xi32>
      %add3A_224 = arith.constant 32767 : i32
      %add3A_225 = vector.broadcast %add3A_224 : i32 to vector<16xi32>
      %add3A_226 = arith.addi %bitcast_convert_type3A_223, %add3A_225 : vector<16xi32>
      %shift_right_logical3A_227 = arith.constant 16 : i32
      %shift_right_logical3A_228 = vector.broadcast %shift_right_logical3A_227 : i32 to vector<16xi32>
      %shift_right_logical3A_229 = arith.shrui %bitcast_convert_type3A_223, %shift_right_logical3A_228 : vector<16xi32>
      %and3A_230 = arith.constant 1 : i32
      %and3A_231 = vector.broadcast %and3A_230 : i32 to vector<16xi32>
      %and3A_232 = arith.andi %shift_right_logical3A_229, %and3A_231 : vector<16xi32>
      %add3A_233 = arith.addi %add3A_226, %and3A_232 : vector<16xi32>
      %and3A_234 = arith.constant -65536 : i32
      %and3A_235 = vector.broadcast %and3A_234 : i32 to vector<16xi32>
      %and3A_236 = arith.andi %add3A_233, %and3A_235 : vector<16xi32>
      %bitcast_convert_type3A_237 = tpu.bitcast %and3A_236 : vector<16xi32> -> vector<16xf32>
      %mul3A_238 = arith.mulf %bitcast_convert_type3A_216, %bitcast_convert_type3A_237 : vector<16xf32>
      %add3A_239 = arith.addf %scan3A_201, %mul3A_238 : vector<16xf32>
      scf.yield %add3A_239 : vector<16xf32>
    }
    %scan3A_8 = arith.constant 64 : i32
    %reduce_sum3A = arith.constant true
    %reduce_sum3A_9 = vector.broadcast %reduce_sum3A : i1 to vector<16xi1>
    %reduce_sum3A_10 = tpu.scan <sum>, %scan3A_7 masked %reduce_sum3A_9 : vector<16xf32>, vector<16xi1> -> vector<16xf32>
    %reduce_sum3A_11 = vector.extract %reduce_sum3A_10[15] : f32 from vector<16xf32>
    %eq3A = arith.constant 0 : i32
    %eq3A_12 = vector.broadcast %eq3A : i32 to vector<16xi32>
    %eq3A_13 = arith.cmpi eq, %iota3A, %eq3A_12 : vector<16xi32>
    %broadcast_in_dim3A_14 = vector.broadcast %reduce_sum3A_11 : f32 to vector<16xf32>
    %select_n3A = arith.select %eq3A_13, %broadcast_in_dim3A_14, %broadcast_in_dim3A_1 : vector<16xi1>, vector<16xf32>
    %broadcast_in_dim3A_15 = arith.constant 0.000000e+00 : f32
    %broadcast_in_dim3A_16 = vector.broadcast %broadcast_in_dim3A_15 : f32 to vector<16xf32>
    %scan3A_17 = arith.constant 0 : i32
    %scan3A_18 = arith.constant 64 : i32
    %scan3A_19 = arith.addi %scan3A_17, %scan3A_18 : i32
    %scan3A_20 = arith.constant 1 : i32
    %scan3A_21 = scf.for %scan3A_200 = %scan3A_17 to %scan3A_19 step %scan3A_20 iter_args(%scan3A_201 = %broadcast_in_dim3A_16) -> (vector<16xf32>)  : i32 {
      %mul3A_202 = arith.constant 16 : i32
      %mul3A_203 = arith.muli %scan3A_200, %mul3A_202 : i32
      %get3A = arith.index_cast %mul3A_203 : i32 to index
      %get3A_204 = tpu.vector_load %arg7[%get3A] {strides = array<i32>} : memref<1024xf32, #tpu.memory_space<vmem>>, vector<16xf32>,
      %bitcast_convert_type3A = tpu.bitcast %get3A_204 : vector<16xf32> -> vector<16xi32>
      %add3A_205 = arith.constant 32767 : i32
      %add3A_206 = vector.broadcast %add3A_205 : i32 to vector<16xi32>
      %add3A_207 = arith.addi %bitcast_convert_type3A, %add3A_206 : vector<16xi32>
      %shift_right_logical3A = arith.constant 16 : i32
      %shift_right_logical3A_208 = vector.broadcast %shift_right_logical3A : i32 to vector<16xi32>
      %shift_right_logical3A_209 = arith.shrui %bitcast_convert_type3A, %shift_right_logical3A_208 : vector<16xi32>
      %and3A = arith.constant 1 : i32
      %and3A_210 = vector.broadcast %and3A : i32 to vector<16xi32>
      %and3A_211 = arith.andi %shift_right_logical3A_209, %and3A_210 : vector<16xi32>
      %add3A_212 = arith.addi %add3A_207, %and3A_211 : vector<16xi32>
      %and3A_213 = arith.constant -65536 : i32
      %and3A_214 = vector.broadcast %and3A_213 : i32 to vector<16xi32>
      %and3A_215 = arith.andi %add3A_212, %and3A_214 : vector<16xi32>
      %bitcast_convert_type3A_216 = tpu.bitcast %and3A_215 : vector<16xi32> -> vector<16xf32>
      %mul3A_217 = arith.constant 16 : i32
      %mul3A_218 = arith.muli %scan3A_200, %mul3A_217 : i32
      %get3A_219 = arith.constant 1 : i32
      %get3A_220 = arith.index_cast %get3A_219 : i32 to index
      %get3A_221 = arith.index_cast %mul3A_218 : i32 to index
      %get3A_222 = tpu.vector_load %arg8[%get3A_220, %get3A_221] {strides = array<i32>} : memref<8x1024xf32, #tpu.memory_space<vmem>>, vector<16xf32>,
      %bitcast_convert_type3A_223 = tpu.bitcast %get3A_222 : vector<16xf32> -> vector<16xi32>
      %add3A_224 = arith.constant 32767 : i32
      %add3A_225 = vector.broadcast %add3A_224 : i32 to vector<16xi32>
      %add3A_226 = arith.addi %bitcast_convert_type3A_223, %add3A_225 : vector<16xi32>
      %shift_right_logical3A_227 = arith.constant 16 : i32
      %shift_right_logical3A_228 = vector.broadcast %shift_right_logical3A_227 : i32 to vector<16xi32>
      %shift_right_logical3A_229 = arith.shrui %bitcast_convert_type3A_223, %shift_right_logical3A_228 : vector<16xi32>
      %and3A_230 = arith.constant 1 : i32
      %and3A_231 = vector.broadcast %and3A_230 : i32 to vector<16xi32>
      %and3A_232 = arith.andi %shift_right_logical3A_229, %and3A_231 : vector<16xi32>
      %add3A_233 = arith.addi %add3A_226, %and3A_232 : vector<16xi32>
      %and3A_234 = arith.constant -65536 : i32
      %and3A_235 = vector.broadcast %and3A_234 : i32 to vector<16xi32>
      %and3A_236 = arith.andi %add3A_233, %and3A_235 : vector<16xi32>
      %bitcast_convert_type3A_237 = tpu.bitcast %and3A_236 : vector<16xi32> -> vector<16xf32>
      %mul3A_238 = arith.mulf %bitcast_convert_type3A_216, %bitcast_convert_type3A_237 : vector<16xf32>
      %add3A_239 = arith.addf %scan3A_201, %mul3A_238 : vector<16xf32>
      scf.yield %add3A_239 : vector<16xf32>
    }
    %scan3A_22 = arith.constant 64 : i32
    %reduce_sum3A_23 = arith.constant true
    %reduce_sum3A_24 = vector.broadcast %reduce_sum3A_23 : i1 to vector<16xi1>
    %reduce_sum3A_25 = tpu.scan <sum>, %scan3A_21 masked %reduce_sum3A_24 : vector<16xf32>, vector<16xi1> -> vector<16xf32>
    %reduce_sum3A_26 = vector.extract %reduce_sum3A_25[15] : f32 from vector<16xf32>
    %eq3A_27 = arith.constant 1 : i32
    %eq3A_28 = vector.broadcast %eq3A_27 : i32 to vector<16xi32>
    %eq3A_29 = arith.cmpi eq, %iota3A, %eq3A_28 : vector<16xi32>
    %broadcast_in_dim3A_30 = vector.broadcast %reduce_sum3A_26 : f32 to vector<16xf32>
    %select_n3A_31 = arith.select %eq3A_29, %broadcast_in_dim3A_30, %select_n3A : vector<16xi1>, vector<16xf32>
    %broadcast_in_dim3A_32 = arith.constant 0.000000e+00 : f32
    %broadcast_in_dim3A_33 = vector.broadcast %broadcast_in_dim3A_32 : f32 to vector<16xf32>
    %scan3A_34 = arith.constant 0 : i32
    %scan3A_35 = arith.constant 64 : i32
    %scan3A_36 = arith.addi %scan3A_34, %scan3A_35 : i32
    %scan3A_37 = arith.constant 1 : i32
    %scan3A_38 = scf.for %scan3A_200 = %scan3A_34 to %scan3A_36 step %scan3A_37 iter_args(%scan3A_201 = %broadcast_in_dim3A_33) -> (vector<16xf32>)  : i32 {
      %mul3A_202 = arith.constant 16 : i32
      %mul3A_203 = arith.muli %scan3A_200, %mul3A_202 : i32
      %get3A = arith.index_cast %mul3A_203 : i32 to index
      %get3A_204 = tpu.vector_load %arg7[%get3A] {strides = array<i32>} : memref<1024xf32, #tpu.memory_space<vmem>>, vector<16xf32>,
      %bitcast_convert_type3A = tpu.bitcast %get3A_204 : vector<16xf32> -> vector<16xi32>
      %add3A_205 = arith.constant 32767 : i32
      %add3A_206 = vector.broadcast %add3A_205 : i32 to vector<16xi32>
      %add3A_207 = arith.addi %bitcast_convert_type3A, %add3A_206 : vector<16xi32>
      %shift_right_logical3A = arith.constant 16 : i32
      %shift_right_logical3A_208 = vector.broadcast %shift_right_logical3A : i32 to vector<16xi32>
      %shift_right_logical3A_209 = arith.shrui %bitcast_convert_type3A, %shift_right_logical3A_208 : vector<16xi32>
      %and3A = arith.constant 1 : i32
      %and3A_210 = vector.broadcast %and3A : i32 to vector<16xi32>
      %and3A_211 = arith.andi %shift_right_logical3A_209, %and3A_210 : vector<16xi32>
      %add3A_212 = arith.addi %add3A_207, %and3A_211 : vector<16xi32>
      %and3A_213 = arith.constant -65536 : i32
      %and3A_214 = vector.broadcast %and3A_213 : i32 to vector<16xi32>
      %and3A_215 = arith.andi %add3A_212, %and3A_214 : vector<16xi32>
      %bitcast_convert_type3A_216 = tpu.bitcast %and3A_215 : vector<16xi32> -> vector<16xf32>
      %mul3A_217 = arith.constant 16 : i32
      %mul3A_218 = arith.muli %scan3A_200, %mul3A_217 : i32
      %get3A_219 = arith.constant 2 : i32
      %get3A_220 = arith.index_cast %get3A_219 : i32 to index
      %get3A_221 = arith.index_cast %mul3A_218 : i32 to index
      %get3A_222 = tpu.vector_load %arg8[%get3A_220, %get3A_221] {strides = array<i32>} : memref<8x1024xf32, #tpu.memory_space<vmem>>, vector<16xf32>,
      %bitcast_convert_type3A_223 = tpu.bitcast %get3A_222 : vector<16xf32> -> vector<16xi32>
      %add3A_224 = arith.constant 32767 : i32
      %add3A_225 = vector.broadcast %add3A_224 : i32 to vector<16xi32>
      %add3A_226 = arith.addi %bitcast_convert_type3A_223, %add3A_225 : vector<16xi32>
      %shift_right_logical3A_227 = arith.constant 16 : i32
      %shift_right_logical3A_228 = vector.broadcast %shift_right_logical3A_227 : i32 to vector<16xi32>
      %shift_right_logical3A_229 = arith.shrui %bitcast_convert_type3A_223, %shift_right_logical3A_228 : vector<16xi32>
      %and3A_230 = arith.constant 1 : i32
      %and3A_231 = vector.broadcast %and3A_230 : i32 to vector<16xi32>
      %and3A_232 = arith.andi %shift_right_logical3A_229, %and3A_231 : vector<16xi32>
      %add3A_233 = arith.addi %add3A_226, %and3A_232 : vector<16xi32>
      %and3A_234 = arith.constant -65536 : i32
      %and3A_235 = vector.broadcast %and3A_234 : i32 to vector<16xi32>
      %and3A_236 = arith.andi %add3A_233, %and3A_235 : vector<16xi32>
      %bitcast_convert_type3A_237 = tpu.bitcast %and3A_236 : vector<16xi32> -> vector<16xf32>
      %mul3A_238 = arith.mulf %bitcast_convert_type3A_216, %bitcast_convert_type3A_237 : vector<16xf32>
      %add3A_239 = arith.addf %scan3A_201, %mul3A_238 : vector<16xf32>
      scf.yield %add3A_239 : vector<16xf32>
    }
    %scan3A_39 = arith.constant 64 : i32
    %reduce_sum3A_40 = arith.constant true
    %reduce_sum3A_41 = vector.broadcast %reduce_sum3A_40 : i1 to vector<16xi1>
    %reduce_sum3A_42 = tpu.scan <sum>, %scan3A_38 masked %reduce_sum3A_41 : vector<16xf32>, vector<16xi1> -> vector<16xf32>
    %reduce_sum3A_43 = vector.extract %reduce_sum3A_42[15] : f32 from vector<16xf32>
    %eq3A_44 = arith.constant 2 : i32
    %eq3A_45 = vector.broadcast %eq3A_44 : i32 to vector<16xi32>
    %eq3A_46 = arith.cmpi eq, %iota3A, %eq3A_45 : vector<16xi32>
    %broadcast_in_dim3A_47 = vector.broadcast %reduce_sum3A_43 : f32 to vector<16xf32>
    %select_n3A_48 = arith.select %eq3A_46, %broadcast_in_dim3A_47, %select_n3A_31 : vector<16xi1>, vector<16xf32>
    %broadcast_in_dim3A_49 = arith.constant 0.000000e+00 : f32
    %broadcast_in_dim3A_50 = vector.broadcast %broadcast_in_dim3A_49 : f32 to vector<16xf32>
    %scan3A_51 = arith.constant 0 : i32
    %scan3A_52 = arith.constant 64 : i32
    %scan3A_53 = arith.addi %scan3A_51, %scan3A_52 : i32
    %scan3A_54 = arith.constant 1 : i32
    %scan3A_55 = scf.for %scan3A_200 = %scan3A_51 to %scan3A_53 step %scan3A_54 iter_args(%scan3A_201 = %broadcast_in_dim3A_50) -> (vector<16xf32>)  : i32 {
      %mul3A_202 = arith.constant 16 : i32
      %mul3A_203 = arith.muli %scan3A_200, %mul3A_202 : i32
      %get3A = arith.index_cast %mul3A_203 : i32 to index
      %get3A_204 = tpu.vector_load %arg7[%get3A] {strides = array<i32>} : memref<1024xf32, #tpu.memory_space<vmem>>, vector<16xf32>,
      %bitcast_convert_type3A = tpu.bitcast %get3A_204 : vector<16xf32> -> vector<16xi32>
      %add3A_205 = arith.constant 32767 : i32
      %add3A_206 = vector.broadcast %add3A_205 : i32 to vector<16xi32>
      %add3A_207 = arith.addi %bitcast_convert_type3A, %add3A_206 : vector<16xi32>
      %shift_right_logical3A = arith.constant 16 : i32
      %shift_right_logical3A_208 = vector.broadcast %shift_right_logical3A : i32 to vector<16xi32>
      %shift_right_logical3A_209 = arith.shrui %bitcast_convert_type3A, %shift_right_logical3A_208 : vector<16xi32>
      %and3A = arith.constant 1 : i32
      %and3A_210 = vector.broadcast %and3A : i32 to vector<16xi32>
      %and3A_211 = arith.andi %shift_right_logical3A_209, %and3A_210 : vector<16xi32>
      %add3A_212 = arith.addi %add3A_207, %and3A_211 : vector<16xi32>
      %and3A_213 = arith.constant -65536 : i32
      %and3A_214 = vector.broadcast %and3A_213 : i32 to vector<16xi32>
      %and3A_215 = arith.andi %add3A_212, %and3A_214 : vector<16xi32>
      %bitcast_convert_type3A_216 = tpu.bitcast %and3A_215 : vector<16xi32> -> vector<16xf32>
      %mul3A_217 = arith.constant 16 : i32
      %mul3A_218 = arith.muli %scan3A_200, %mul3A_217 : i32
      %get3A_219 = arith.constant 3 : i32
      %get3A_220 = arith.index_cast %get3A_219 : i32 to index
      %get3A_221 = arith.index_cast %mul3A_218 : i32 to index
      %get3A_222 = tpu.vector_load %arg8[%get3A_220, %get3A_221] {strides = array<i32>} : memref<8x1024xf32, #tpu.memory_space<vmem>>, vector<16xf32>,
      %bitcast_convert_type3A_223 = tpu.bitcast %get3A_222 : vector<16xf32> -> vector<16xi32>
      %add3A_224 = arith.constant 32767 : i32
      %add3A_225 = vector.broadcast %add3A_224 : i32 to vector<16xi32>
      %add3A_226 = arith.addi %bitcast_convert_type3A_223, %add3A_225 : vector<16xi32>
      %shift_right_logical3A_227 = arith.constant 16 : i32
      %shift_right_logical3A_228 = vector.broadcast %shift_right_logical3A_227 : i32 to vector<16xi32>
      %shift_right_logical3A_229 = arith.shrui %bitcast_convert_type3A_223, %shift_right_logical3A_228 : vector<16xi32>
      %and3A_230 = arith.constant 1 : i32
      %and3A_231 = vector.broadcast %and3A_230 : i32 to vector<16xi32>
      %and3A_232 = arith.andi %shift_right_logical3A_229, %and3A_231 : vector<16xi32>
      %add3A_233 = arith.addi %add3A_226, %and3A_232 : vector<16xi32>
      %and3A_234 = arith.constant -65536 : i32
      %and3A_235 = vector.broadcast %and3A_234 : i32 to vector<16xi32>
      %and3A_236 = arith.andi %add3A_233, %and3A_235 : vector<16xi32>
      %bitcast_convert_type3A_237 = tpu.bitcast %and3A_236 : vector<16xi32> -> vector<16xf32>
      %mul3A_238 = arith.mulf %bitcast_convert_type3A_216, %bitcast_convert_type3A_237 : vector<16xf32>
      %add3A_239 = arith.addf %scan3A_201, %mul3A_238 : vector<16xf32>
      scf.yield %add3A_239 : vector<16xf32>
    }
    %scan3A_56 = arith.constant 64 : i32
    %reduce_sum3A_57 = arith.constant true
    %reduce_sum3A_58 = vector.broadcast %reduce_sum3A_57 : i1 to vector<16xi1>
    %reduce_sum3A_59 = tpu.scan <sum>, %scan3A_55 masked %reduce_sum3A_58 : vector<16xf32>, vector<16xi1> -> vector<16xf32>
    %reduce_sum3A_60 = vector.extract %reduce_sum3A_59[15] : f32 from vector<16xf32>
    %eq3A_61 = arith.constant 3 : i32
    %eq3A_62 = vector.broadcast %eq3A_61 : i32 to vector<16xi32>
    %eq3A_63 = arith.cmpi eq, %iota3A, %eq3A_62 : vector<16xi32>
    %broadcast_in_dim3A_64 = vector.broadcast %reduce_sum3A_60 : f32 to vector<16xf32>
    %select_n3A_65 = arith.select %eq3A_63, %broadcast_in_dim3A_64, %select_n3A_48 : vector<16xi1>, vector<16xf32>
    %broadcast_in_dim3A_66 = arith.constant 0.000000e+00 : f32
    %broadcast_in_dim3A_67 = vector.broadcast %broadcast_in_dim3A_66 : f32 to vector<16xf32>
    %scan3A_68 = arith.constant 0 : i32
    %scan3A_69 = arith.constant 64 : i32
    %scan3A_70 = arith.addi %scan3A_68, %scan3A_69 : i32
    %scan3A_71 = arith.constant 1 : i32
    %scan3A_72 = scf.for %scan3A_200 = %scan3A_68 to %scan3A_70 step %scan3A_71 iter_args(%scan3A_201 = %broadcast_in_dim3A_67) -> (vector<16xf32>)  : i32 {
      %mul3A_202 = arith.constant 16 : i32
      %mul3A_203 = arith.muli %scan3A_200, %mul3A_202 : i32
      %get3A = arith.index_cast %mul3A_203 : i32 to index
      %get3A_204 = tpu.vector_load %arg7[%get3A] {strides = array<i32>} : memref<1024xf32, #tpu.memory_space<vmem>>, vector<16xf32>,
      %bitcast_convert_type3A = tpu.bitcast %get3A_204 : vector<16xf32> -> vector<16xi32>
      %add3A_205 = arith.constant 32767 : i32
      %add3A_206 = vector.broadcast %add3A_205 : i32 to vector<16xi32>
      %add3A_207 = arith.addi %bitcast_convert_type3A, %add3A_206 : vector<16xi32>
      %shift_right_logical3A = arith.constant 16 : i32
      %shift_right_logical3A_208 = vector.broadcast %shift_right_logical3A : i32 to vector<16xi32>
      %shift_right_logical3A_209 = arith.shrui %bitcast_convert_type3A, %shift_right_logical3A_208 : vector<16xi32>
      %and3A = arith.constant 1 : i32
      %and3A_210 = vector.broadcast %and3A : i32 to vector<16xi32>
      %and3A_211 = arith.andi %shift_right_logical3A_209, %and3A_210 : vector<16xi32>
      %add3A_212 = arith.addi %add3A_207, %and3A_211 : vector<16xi32>
      %and3A_213 = arith.constant -65536 : i32
      %and3A_214 = vector.broadcast %and3A_213 : i32 to vector<16xi32>
      %and3A_215 = arith.andi %add3A_212, %and3A_214 : vector<16xi32>
      %bitcast_convert_type3A_216 = tpu.bitcast %and3A_215 : vector<16xi32> -> vector<16xf32>
      %mul3A_217 = arith.constant 16 : i32
      %mul3A_218 = arith.muli %scan3A_200, %mul3A_217 : i32
      %get3A_219 = arith.constant 4 : i32
      %get3A_220 = arith.index_cast %get3A_219 : i32 to index
      %get3A_221 = arith.index_cast %mul3A_218 : i32 to index
      %get3A_222 = tpu.vector_load %arg8[%get3A_220, %get3A_221] {strides = array<i32>} : memref<8x1024xf32, #tpu.memory_space<vmem>>, vector<16xf32>,
      %bitcast_convert_type3A_223 = tpu.bitcast %get3A_222 : vector<16xf32> -> vector<16xi32>
      %add3A_224 = arith.constant 32767 : i32
      %add3A_225 = vector.broadcast %add3A_224 : i32 to vector<16xi32>
      %add3A_226 = arith.addi %bitcast_convert_type3A_223, %add3A_225 : vector<16xi32>
      %shift_right_logical3A_227 = arith.constant 16 : i32
      %shift_right_logical3A_228 = vector.broadcast %shift_right_logical3A_227 : i32 to vector<16xi32>
      %shift_right_logical3A_229 = arith.shrui %bitcast_convert_type3A_223, %shift_right_logical3A_228 : vector<16xi32>
      %and3A_230 = arith.constant 1 : i32
      %and3A_231 = vector.broadcast %and3A_230 : i32 to vector<16xi32>
      %and3A_232 = arith.andi %shift_right_logical3A_229, %and3A_231 : vector<16xi32>
      %add3A_233 = arith.addi %add3A_226, %and3A_232 : vector<16xi32>
      %and3A_234 = arith.constant -65536 : i32
      %and3A_235 = vector.broadcast %and3A_234 : i32 to vector<16xi32>
      %and3A_236 = arith.andi %add3A_233, %and3A_235 : vector<16xi32>
      %bitcast_convert_type3A_237 = tpu.bitcast %and3A_236 : vector<16xi32> -> vector<16xf32>
      %mul3A_238 = arith.mulf %bitcast_convert_type3A_216, %bitcast_convert_type3A_237 : vector<16xf32>
      %add3A_239 = arith.addf %scan3A_201, %mul3A_238 : vector<16xf32>
      scf.yield %add3A_239 : vector<16xf32>
    }
    %scan3A_73 = arith.constant 64 : i32
    %reduce_sum3A_74 = arith.constant true
    %reduce_sum3A_75 = vector.broadcast %reduce_sum3A_74 : i1 to vector<16xi1>
    %reduce_sum3A_76 = tpu.scan <sum>, %scan3A_72 masked %reduce_sum3A_75 : vector<16xf32>, vector<16xi1> -> vector<16xf32>
    %reduce_sum3A_77 = vector.extract %reduce_sum3A_76[15] : f32 from vector<16xf32>
    %eq3A_78 = arith.constant 4 : i32
    %eq3A_79 = vector.broadcast %eq3A_78 : i32 to vector<16xi32>
    %eq3A_80 = arith.cmpi eq, %iota3A, %eq3A_79 : vector<16xi32>
    %broadcast_in_dim3A_81 = vector.broadcast %reduce_sum3A_77 : f32 to vector<16xf32>
    %select_n3A_82 = arith.select %eq3A_80, %broadcast_in_dim3A_81, %select_n3A_65 : vector<16xi1>, vector<16xf32>
    %broadcast_in_dim3A_83 = arith.constant 0.000000e+00 : f32
    %broadcast_in_dim3A_84 = vector.broadcast %broadcast_in_dim3A_83 : f32 to vector<16xf32>
    %scan3A_85 = arith.constant 0 : i32
    %scan3A_86 = arith.constant 64 : i32
    %scan3A_87 = arith.addi %scan3A_85, %scan3A_86 : i32
    %scan3A_88 = arith.constant 1 : i32
    %scan3A_89 = scf.for %scan3A_200 = %scan3A_85 to %scan3A_87 step %scan3A_88 iter_args(%scan3A_201 = %broadcast_in_dim3A_84) -> (vector<16xf32>)  : i32 {
      %mul3A_202 = arith.constant 16 : i32
      %mul3A_203 = arith.muli %scan3A_200, %mul3A_202 : i32
      %get3A = arith.index_cast %mul3A_203 : i32 to index
      %get3A_204 = tpu.vector_load %arg7[%get3A] {strides = array<i32>} : memref<1024xf32, #tpu.memory_space<vmem>>, vector<16xf32>,
      %bitcast_convert_type3A = tpu.bitcast %get3A_204 : vector<16xf32> -> vector<16xi32>
      %add3A_205 = arith.constant 32767 : i32
      %add3A_206 = vector.broadcast %add3A_205 : i32 to vector<16xi32>
      %add3A_207 = arith.addi %bitcast_convert_type3A, %add3A_206 : vector<16xi32>
      %shift_right_logical3A = arith.constant 16 : i32
      %shift_right_logical3A_208 = vector.broadcast %shift_right_logical3A : i32 to vector<16xi32>
      %shift_right_logical3A_209 = arith.shrui %bitcast_convert_type3A, %shift_right_logical3A_208 : vector<16xi32>
      %and3A = arith.constant 1 : i32
      %and3A_210 = vector.broadcast %and3A : i32 to vector<16xi32>
      %and3A_211 = arith.andi %shift_right_logical3A_209, %and3A_210 : vector<16xi32>
      %add3A_212 = arith.addi %add3A_207, %and3A_211 : vector<16xi32>
      %and3A_213 = arith.constant -65536 : i32
      %and3A_214 = vector.broadcast %and3A_213 : i32 to vector<16xi32>
      %and3A_215 = arith.andi %add3A_212, %and3A_214 : vector<16xi32>
      %bitcast_convert_type3A_216 = tpu.bitcast %and3A_215 : vector<16xi32> -> vector<16xf32>
      %mul3A_217 = arith.constant 16 : i32
      %mul3A_218 = arith.muli %scan3A_200, %mul3A_217 : i32
      %get3A_219 = arith.constant 5 : i32
      %get3A_220 = arith.index_cast %get3A_219 : i32 to index
      %get3A_221 = arith.index_cast %mul3A_218 : i32 to index
      %get3A_222 = tpu.vector_load %arg8[%get3A_220, %get3A_221] {strides = array<i32>} : memref<8x1024xf32, #tpu.memory_space<vmem>>, vector<16xf32>,
      %bitcast_convert_type3A_223 = tpu.bitcast %get3A_222 : vector<16xf32> -> vector<16xi32>
      %add3A_224 = arith.constant 32767 : i32
      %add3A_225 = vector.broadcast %add3A_224 : i32 to vector<16xi32>
      %add3A_226 = arith.addi %bitcast_convert_type3A_223, %add3A_225 : vector<16xi32>
      %shift_right_logical3A_227 = arith.constant 16 : i32
      %shift_right_logical3A_228 = vector.broadcast %shift_right_logical3A_227 : i32 to vector<16xi32>
      %shift_right_logical3A_229 = arith.shrui %bitcast_convert_type3A_223, %shift_right_logical3A_228 : vector<16xi32>
      %and3A_230 = arith.constant 1 : i32
      %and3A_231 = vector.broadcast %and3A_230 : i32 to vector<16xi32>
      %and3A_232 = arith.andi %shift_right_logical3A_229, %and3A_231 : vector<16xi32>
      %add3A_233 = arith.addi %add3A_226, %and3A_232 : vector<16xi32>
      %and3A_234 = arith.constant -65536 : i32
      %and3A_235 = vector.broadcast %and3A_234 : i32 to vector<16xi32>
      %and3A_236 = arith.andi %add3A_233, %and3A_235 : vector<16xi32>
      %bitcast_convert_type3A_237 = tpu.bitcast %and3A_236 : vector<16xi32> -> vector<16xf32>
      %mul3A_238 = arith.mulf %bitcast_convert_type3A_216, %bitcast_convert_type3A_237 : vector<16xf32>
      %add3A_239 = arith.addf %scan3A_201, %mul3A_238 : vector<16xf32>
      scf.yield %add3A_239 : vector<16xf32>
    }
    %scan3A_90 = arith.constant 64 : i32
    %reduce_sum3A_91 = arith.constant true
    %reduce_sum3A_92 = vector.broadcast %reduce_sum3A_91 : i1 to vector<16xi1>
    %reduce_sum3A_93 = tpu.scan <sum>, %scan3A_89 masked %reduce_sum3A_92 : vector<16xf32>, vector<16xi1> -> vector<16xf32>
    %reduce_sum3A_94 = vector.extract %reduce_sum3A_93[15] : f32 from vector<16xf32>
    %eq3A_95 = arith.constant 5 : i32
    %eq3A_96 = vector.broadcast %eq3A_95 : i32 to vector<16xi32>
    %eq3A_97 = arith.cmpi eq, %iota3A, %eq3A_96 : vector<16xi32>
    %broadcast_in_dim3A_98 = vector.broadcast %reduce_sum3A_94 : f32 to vector<16xf32>
    %select_n3A_99 = arith.select %eq3A_97, %broadcast_in_dim3A_98, %select_n3A_82 : vector<16xi1>, vector<16xf32>
    %broadcast_in_dim3A_100 = arith.constant 0.000000e+00 : f32
    %broadcast_in_dim3A_101 = vector.broadcast %broadcast_in_dim3A_100 : f32 to vector<16xf32>
    %scan3A_102 = arith.constant 0 : i32
    %scan3A_103 = arith.constant 64 : i32
    %scan3A_104 = arith.addi %scan3A_102, %scan3A_103 : i32
    %scan3A_105 = arith.constant 1 : i32
    %scan3A_106 = scf.for %scan3A_200 = %scan3A_102 to %scan3A_104 step %scan3A_105 iter_args(%scan3A_201 = %broadcast_in_dim3A_101) -> (vector<16xf32>)  : i32 {
      %mul3A_202 = arith.constant 16 : i32
      %mul3A_203 = arith.muli %scan3A_200, %mul3A_202 : i32
      %get3A = arith.index_cast %mul3A_203 : i32 to index
      %get3A_204 = tpu.vector_load %arg7[%get3A] {strides = array<i32>} : memref<1024xf32, #tpu.memory_space<vmem>>, vector<16xf32>,
      %bitcast_convert_type3A = tpu.bitcast %get3A_204 : vector<16xf32> -> vector<16xi32>
      %add3A_205 = arith.constant 32767 : i32
      %add3A_206 = vector.broadcast %add3A_205 : i32 to vector<16xi32>
      %add3A_207 = arith.addi %bitcast_convert_type3A, %add3A_206 : vector<16xi32>
      %shift_right_logical3A = arith.constant 16 : i32
      %shift_right_logical3A_208 = vector.broadcast %shift_right_logical3A : i32 to vector<16xi32>
      %shift_right_logical3A_209 = arith.shrui %bitcast_convert_type3A, %shift_right_logical3A_208 : vector<16xi32>
      %and3A = arith.constant 1 : i32
      %and3A_210 = vector.broadcast %and3A : i32 to vector<16xi32>
      %and3A_211 = arith.andi %shift_right_logical3A_209, %and3A_210 : vector<16xi32>
      %add3A_212 = arith.addi %add3A_207, %and3A_211 : vector<16xi32>
      %and3A_213 = arith.constant -65536 : i32
      %and3A_214 = vector.broadcast %and3A_213 : i32 to vector<16xi32>
      %and3A_215 = arith.andi %add3A_212, %and3A_214 : vector<16xi32>
      %bitcast_convert_type3A_216 = tpu.bitcast %and3A_215 : vector<16xi32> -> vector<16xf32>
      %mul3A_217 = arith.constant 16 : i32
      %mul3A_218 = arith.muli %scan3A_200, %mul3A_217 : i32
      %get3A_219 = arith.constant 6 : i32
      %get3A_220 = arith.index_cast %get3A_219 : i32 to index
      %get3A_221 = arith.index_cast %mul3A_218 : i32 to index
      %get3A_222 = tpu.vector_load %arg8[%get3A_220, %get3A_221] {strides = array<i32>} : memref<8x1024xf32, #tpu.memory_space<vmem>>, vector<16xf32>,
      %bitcast_convert_type3A_223 = tpu.bitcast %get3A_222 : vector<16xf32> -> vector<16xi32>
      %add3A_224 = arith.constant 32767 : i32
      %add3A_225 = vector.broadcast %add3A_224 : i32 to vector<16xi32>
      %add3A_226 = arith.addi %bitcast_convert_type3A_223, %add3A_225 : vector<16xi32>
      %shift_right_logical3A_227 = arith.constant 16 : i32
      %shift_right_logical3A_228 = vector.broadcast %shift_right_logical3A_227 : i32 to vector<16xi32>
      %shift_right_logical3A_229 = arith.shrui %bitcast_convert_type3A_223, %shift_right_logical3A_228 : vector<16xi32>
      %and3A_230 = arith.constant 1 : i32
      %and3A_231 = vector.broadcast %and3A_230 : i32 to vector<16xi32>
      %and3A_232 = arith.andi %shift_right_logical3A_229, %and3A_231 : vector<16xi32>
      %add3A_233 = arith.addi %add3A_226, %and3A_232 : vector<16xi32>
      %and3A_234 = arith.constant -65536 : i32
      %and3A_235 = vector.broadcast %and3A_234 : i32 to vector<16xi32>
      %and3A_236 = arith.andi %add3A_233, %and3A_235 : vector<16xi32>
      %bitcast_convert_type3A_237 = tpu.bitcast %and3A_236 : vector<16xi32> -> vector<16xf32>
      %mul3A_238 = arith.mulf %bitcast_convert_type3A_216, %bitcast_convert_type3A_237 : vector<16xf32>
      %add3A_239 = arith.addf %scan3A_201, %mul3A_238 : vector<16xf32>
      scf.yield %add3A_239 : vector<16xf32>
    }
    %scan3A_107 = arith.constant 64 : i32
    %reduce_sum3A_108 = arith.constant true
    %reduce_sum3A_109 = vector.broadcast %reduce_sum3A_108 : i1 to vector<16xi1>
    %reduce_sum3A_110 = tpu.scan <sum>, %scan3A_106 masked %reduce_sum3A_109 : vector<16xf32>, vector<16xi1> -> vector<16xf32>
    %reduce_sum3A_111 = vector.extract %reduce_sum3A_110[15] : f32 from vector<16xf32>
    %eq3A_112 = arith.constant 6 : i32
    %eq3A_113 = vector.broadcast %eq3A_112 : i32 to vector<16xi32>
    %eq3A_114 = arith.cmpi eq, %iota3A, %eq3A_113 : vector<16xi32>
    %broadcast_in_dim3A_115 = vector.broadcast %reduce_sum3A_111 : f32 to vector<16xf32>
    %select_n3A_116 = arith.select %eq3A_114, %broadcast_in_dim3A_115, %select_n3A_99 : vector<16xi1>, vector<16xf32>
    %broadcast_in_dim3A_117 = arith.constant 0.000000e+00 : f32
    %broadcast_in_dim3A_118 = vector.broadcast %broadcast_in_dim3A_117 : f32 to vector<16xf32>
    %scan3A_119 = arith.constant 0 : i32
    %scan3A_120 = arith.constant 64 : i32
    %scan3A_121 = arith.addi %scan3A_119, %scan3A_120 : i32
    %scan3A_122 = arith.constant 1 : i32
    %scan3A_123 = scf.for %scan3A_200 = %scan3A_119 to %scan3A_121 step %scan3A_122 iter_args(%scan3A_201 = %broadcast_in_dim3A_118) -> (vector<16xf32>)  : i32 {
      %mul3A_202 = arith.constant 16 : i32
      %mul3A_203 = arith.muli %scan3A_200, %mul3A_202 : i32
      %get3A = arith.index_cast %mul3A_203 : i32 to index
      %get3A_204 = tpu.vector_load %arg7[%get3A] {strides = array<i32>} : memref<1024xf32, #tpu.memory_space<vmem>>, vector<16xf32>,
      %bitcast_convert_type3A = tpu.bitcast %get3A_204 : vector<16xf32> -> vector<16xi32>
      %add3A_205 = arith.constant 32767 : i32
      %add3A_206 = vector.broadcast %add3A_205 : i32 to vector<16xi32>
      %add3A_207 = arith.addi %bitcast_convert_type3A, %add3A_206 : vector<16xi32>
      %shift_right_logical3A = arith.constant 16 : i32
      %shift_right_logical3A_208 = vector.broadcast %shift_right_logical3A : i32 to vector<16xi32>
      %shift_right_logical3A_209 = arith.shrui %bitcast_convert_type3A, %shift_right_logical3A_208 : vector<16xi32>
      %and3A = arith.constant 1 : i32
      %and3A_210 = vector.broadcast %and3A : i32 to vector<16xi32>
      %and3A_211 = arith.andi %shift_right_logical3A_209, %and3A_210 : vector<16xi32>
      %add3A_212 = arith.addi %add3A_207, %and3A_211 : vector<16xi32>
      %and3A_213 = arith.constant -65536 : i32
      %and3A_214 = vector.broadcast %and3A_213 : i32 to vector<16xi32>
      %and3A_215 = arith.andi %add3A_212, %and3A_214 : vector<16xi32>
      %bitcast_convert_type3A_216 = tpu.bitcast %and3A_215 : vector<16xi32> -> vector<16xf32>
      %mul3A_217 = arith.constant 16 : i32
      %mul3A_218 = arith.muli %scan3A_200, %mul3A_217 : i32
      %get3A_219 = arith.constant 7 : i32
      %get3A_220 = arith.index_cast %get3A_219 : i32 to index
      %get3A_221 = arith.index_cast %mul3A_218 : i32 to index
      %get3A_222 = tpu.vector_load %arg8[%get3A_220, %get3A_221] {strides = array<i32>} : memref<8x1024xf32, #tpu.memory_space<vmem>>, vector<16xf32>,
      %bitcast_convert_type3A_223 = tpu.bitcast %get3A_222 : vector<16xf32> -> vector<16xi32>
      %add3A_224 = arith.constant 32767 : i32
      %add3A_225 = vector.broadcast %add3A_224 : i32 to vector<16xi32>
      %add3A_226 = arith.addi %bitcast_convert_type3A_223, %add3A_225 : vector<16xi32>
      %shift_right_logical3A_227 = arith.constant 16 : i32
      %shift_right_logical3A_228 = vector.broadcast %shift_right_logical3A_227 : i32 to vector<16xi32>
      %shift_right_logical3A_229 = arith.shrui %bitcast_convert_type3A_223, %shift_right_logical3A_228 : vector<16xi32>
      %and3A_230 = arith.constant 1 : i32
      %and3A_231 = vector.broadcast %and3A_230 : i32 to vector<16xi32>
      %and3A_232 = arith.andi %shift_right_logical3A_229, %and3A_231 : vector<16xi32>
      %add3A_233 = arith.addi %add3A_226, %and3A_232 : vector<16xi32>
      %and3A_234 = arith.constant -65536 : i32
      %and3A_235 = vector.broadcast %and3A_234 : i32 to vector<16xi32>
      %and3A_236 = arith.andi %add3A_233, %and3A_235 : vector<16xi32>
      %bitcast_convert_type3A_237 = tpu.bitcast %and3A_236 : vector<16xi32> -> vector<16xf32>
      %mul3A_238 = arith.mulf %bitcast_convert_type3A_216, %bitcast_convert_type3A_237 : vector<16xf32>
      %add3A_239 = arith.addf %scan3A_201, %mul3A_238 : vector<16xf32>
      scf.yield %add3A_239 : vector<16xf32>
    }
    %scan3A_124 = arith.constant 64 : i32
    %reduce_sum3A_125 = arith.constant true
    %reduce_sum3A_126 = vector.broadcast %reduce_sum3A_125 : i1 to vector<16xi1>
    %reduce_sum3A_127 = tpu.scan <sum>, %scan3A_123 masked %reduce_sum3A_126 : vector<16xf32>, vector<16xi1> -> vector<16xf32>
    %reduce_sum3A_128 = vector.extract %reduce_sum3A_127[15] : f32 from vector<16xf32>
    %eq3A_129 = arith.constant 7 : i32
    %eq3A_130 = vector.broadcast %eq3A_129 : i32 to vector<16xi32>
    %eq3A_131 = arith.cmpi eq, %iota3A, %eq3A_130 : vector<16xi32>
    %broadcast_in_dim3A_132 = vector.broadcast %reduce_sum3A_128 : f32 to vector<16xf32>
    %select_n3A_133 = arith.select %eq3A_131, %broadcast_in_dim3A_132, %select_n3A_116 : vector<16xi1>, vector<16xf32>
    %reduce_max3A = arith.constant true
    %reduce_max3A_134 = vector.broadcast %reduce_max3A : i1 to vector<16xi1>
    %reduce_max3A_135 = tpu.scan <max>, %select_n3A_133 masked %reduce_max3A_134 : vector<16xf32>, vector<16xi1> -> vector<16xf32>
    %reduce_max3A_136 = vector.extract %reduce_max3A_135[15] : f32 from vector<16xf32>
    %eq3A_137 = vector.broadcast %reduce_max3A_136 : f32 to vector<16xf32>
    %eq3A_138 = arith.cmpf oeq, %select_n3A_133, %eq3A_137 : vector<16xf32>
    %jit3A = arith.constant 16 : i32
    %broadcast_in_dim3A_139 = vector.broadcast %jit3A : i32 to vector<16xi32>
    %select_n3A_140 = arith.select %eq3A_138, %iota3A, %broadcast_in_dim3A_139 : vector<16xi1>, vector<16xi32>
    %reduce_min3A = arith.constant true
    %reduce_min3A_141 = vector.broadcast %reduce_min3A : i1 to vector<16xi1>
    %reduce_min3A_142 = arith.constant -2147483648 : i32
    %reduce_min3A_143 = vector.broadcast %reduce_min3A_142 : i32 to vector<16xi32>
    %reduce_min3A_144 = arith.xori %select_n3A_140, %reduce_min3A_143 : vector<16xi32>
    %reduce_min3A_145 = tpu.scan <min>, %reduce_min3A_144 masked %reduce_min3A_141 : vector<16xi32>, vector<16xi1> -> vector<16xi32>
    %reduce_min3A_146 = arith.xori %reduce_min3A_145, %reduce_min3A_143 : vector<16xi32>
    %reduce_min3A_147 = vector.extract %reduce_min3A_146[15] : i32 from vector<16xi32>
    %eq3A_148 = vector.broadcast %reduce_min3A_147 : i32 to vector<16xi32>
    %eq3A_149 = arith.cmpi eq, %iota3A, %eq3A_148 : vector<16xi32>
    %jit3A_150 = arith.constant -1.000000e+30 : f32
    %broadcast_in_dim3A_151 = vector.broadcast %jit3A_150 : f32 to vector<16xf32>
    %select_n3A_152 = arith.select %eq3A_149, %broadcast_in_dim3A_151, %select_n3A_133 : vector<16xi1>, vector<16xf32>
    %reduce_max3A_153 = arith.constant true
    %reduce_max3A_154 = vector.broadcast %reduce_max3A_153 : i1 to vector<16xi1>
    %reduce_max3A_155 = tpu.scan <max>, %select_n3A_152 masked %reduce_max3A_154 : vector<16xf32>, vector<16xi1> -> vector<16xf32>
    %reduce_max3A_156 = vector.extract %reduce_max3A_155[15] : f32 from vector<16xf32>
    %eq3A_157 = vector.broadcast %reduce_max3A_156 : f32 to vector<16xf32>
    %eq3A_158 = arith.cmpf oeq, %select_n3A_152, %eq3A_157 : vector<16xf32>
    %jit3A_159 = arith.constant 16 : i32
    %broadcast_in_dim3A_160 = vector.broadcast %jit3A_159 : i32 to vector<16xi32>
    %select_n3A_161 = arith.select %eq3A_158, %iota3A, %broadcast_in_dim3A_160 : vector<16xi1>, vector<16xi32>
    %reduce_min3A_162 = arith.constant true
    %reduce_min3A_163 = vector.broadcast %reduce_min3A_162 : i1 to vector<16xi1>
    %reduce_min3A_164 = arith.constant -2147483648 : i32
    %reduce_min3A_165 = vector.broadcast %reduce_min3A_164 : i32 to vector<16xi32>
    %reduce_min3A_166 = arith.xori %select_n3A_161, %reduce_min3A_165 : vector<16xi32>
    %reduce_min3A_167 = tpu.scan <min>, %reduce_min3A_166 masked %reduce_min3A_163 : vector<16xi32>, vector<16xi1> -> vector<16xi32>
    %reduce_min3A_168 = arith.xori %reduce_min3A_167, %reduce_min3A_165 : vector<16xi32>
    %reduce_min3A_169 = vector.extract %reduce_min3A_168[15] : i32 from vector<16xi32>
    %eq3A_170 = vector.broadcast %reduce_min3A_169 : i32 to vector<16xi32>
    %eq3A_171 = arith.cmpi eq, %iota3A, %eq3A_170 : vector<16xi32>
    %sub3A = vector.broadcast %reduce_max3A_136 : f32 to vector<16xf32>
    %sub3A_172 = arith.subf %select_n3A_133, %sub3A : vector<16xf32>
    %exp3A = math.exp %sub3A_172 : vector<16xf32>
    %reduce_sum3A_173 = arith.constant true
    %reduce_sum3A_174 = vector.broadcast %reduce_sum3A_173 : i1 to vector<16xi1>
    %reduce_sum3A_175 = tpu.scan <sum>, %exp3A masked %reduce_sum3A_174 : vector<16xf32>, vector<16xi1> -> vector<16xf32>
    %reduce_sum3A_176 = vector.extract %reduce_sum3A_175[15] : f32 from vector<16xf32>
    %div3A = vector.broadcast %reduce_sum3A_176 : f32 to vector<16xf32>
    %div3A_177 = arith.divf %exp3A, %div3A : vector<16xf32>
    %or3A = arith.ori %eq3A_149, %eq3A_171 : vector<16xi1>
    %jit3A_178 = arith.constant 0.000000e+00 : f32
    %broadcast_in_dim3A_179 = vector.broadcast %jit3A_178 : f32 to vector<16xf32>
    %select_n3A_180 = arith.select %or3A, %div3A_177, %broadcast_in_dim3A_179 : vector<16xi1>, vector<16xf32>
    %reduce_sum3A_181 = arith.constant true
    %reduce_sum3A_182 = vector.broadcast %reduce_sum3A_181 : i1 to vector<16xi1>
    %reduce_sum3A_183 = tpu.scan <sum>, %select_n3A_180 masked %reduce_sum3A_182 : vector<16xf32>, vector<16xi1> -> vector<16xf32>
    %reduce_sum3A_184 = vector.extract %reduce_sum3A_183[15] : f32 from vector<16xf32>
    %div3A_185 = vector.broadcast %reduce_sum3A_184 : f32 to vector<16xf32>
    %div3A_186 = arith.divf %div3A_177, %div3A_185 : vector<16xf32>
    %jit3A_187 = arith.constant 0.000000e+00 : f32
    %broadcast_in_dim3A_188 = vector.broadcast %jit3A_187 : f32 to vector<16xf32>
    %select_n3A_189 = arith.select %or3A, %div3A_186, %broadcast_in_dim3A_188 : vector<16xi1>, vector<16xf32>
    %swap3A = arith.constant 0 : index
    %swap3A_190 = tpu.vector_load %arg9[%swap3A] {strides = array<i32>} : memref<16xf32, #tpu.memory_space<vmem>>, vector<16xf32>,
    tpu.vector_store %arg9[%swap3A], %select_n3A_189 {strides = array<i32>} : memref<16xf32, #tpu.memory_space<vmem>>, vector<16xf32>,
    %swap3A_191 = arith.constant 0 : index
    %swap3A_192 = tpu.vector_load %arg10[%swap3A_191] {strides = array<i32>} : memref<16xf32, #tpu.memory_space<vmem>>, vector<16xf32>,
    tpu.vector_store %arg10[%swap3A_191], %div3A_177 {strides = array<i32>} : memref<16xf32, #tpu.memory_space<vmem>>, vector<16xf32>,
    %jit3A_193 = arith.constant 1.000000e+00 : f32
    %jit3A_194 = arith.constant 0.000000e+00 : f32
    %broadcast_in_dim3A_195 = vector.broadcast %jit3A_193 : f32 to vector<16xf32>
    %broadcast_in_dim3A_196 = vector.broadcast %jit3A_194 : f32 to vector<16xf32>
    %select_n3A_197 = arith.select %or3A, %broadcast_in_dim3A_195, %broadcast_in_dim3A_196 : vector<16xi1>, vector<16xf32>
    %swap3A_198 = arith.constant 0 : index
    %swap3A_199 = tpu.vector_load %arg11[%swap3A_198] {strides = array<i32>} : memref<16xf32, #tpu.memory_space<vmem>>, vector<16xf32>,
    tpu.vector_store %arg11[%swap3A_198], %select_n3A_197 {strides = array<i32>} : memref<16xf32, #tpu.memory_space<vmem>>, vector<16xf32>,
    "tpu.region"() ({
      %run_scoped3A = tpu.sem_alloc : memref<!tpu.dma_semaphore, #tpu.memory_space<semaphore_mem>>
      %dma_start3A = arith.constant 0 : i32
      %dma_start3A_200 = tpu.memref_slice %arg4[%add3A, %dma_start3A] : memref<32x16xf32, #tpu.memory_space<hbm>> -> memref<1x16xf32, #tpu.memory_space<hbm>>
      %dma_start3A_201 = tpu.memref_squeeze %dma_start3A_200 : memref<1x16xf32, #tpu.memory_space<hbm>> -> memref<16xf32, #tpu.memory_space<hbm>>
      %dma_start3A_202 = arith.constant 0 : i32
      %dma_start3A_203 = tpu.memref_slice %arg4[%add3A, %dma_start3A_202] : memref<32x16xf32, #tpu.memory_space<hbm>> -> memref<1x16xf32, #tpu.memory_space<hbm>>
      %dma_start3A_204 = tpu.memref_squeeze %dma_start3A_203 : memref<1x16xf32, #tpu.memory_space<hbm>> -> memref<16xf32, #tpu.memory_space<hbm>>
      tpu.enqueue_dma source(%arg9 : memref<16xf32, #tpu.memory_space<vmem>>) target(%dma_start3A_204 : memref<16xf32, #tpu.memory_space<hbm>>) target_semaphore(%run_scoped3A : memref<!tpu.dma_semaphore, #tpu.memory_space<semaphore_mem>>)
      %dma_wait3A = arith.constant 0 : i32
      %dma_wait3A_205 = tpu.memref_slice %arg4[%add3A, %dma_wait3A] : memref<32x16xf32, #tpu.memory_space<hbm>> -> memref<1x16xf32, #tpu.memory_space<hbm>>
      %dma_wait3A_206 = tpu.memref_squeeze %dma_wait3A_205 : memref<1x16xf32, #tpu.memory_space<hbm>> -> memref<16xf32, #tpu.memory_space<hbm>>
      %dma_wait3A_207 = arith.constant 0 : i32
      %dma_wait3A_208 = tpu.memref_slice %arg4[%add3A, %dma_wait3A_207] : memref<32x16xf32, #tpu.memory_space<hbm>> -> memref<1x16xf32, #tpu.memory_space<hbm>>
      %dma_wait3A_209 = tpu.memref_squeeze %dma_wait3A_208 : memref<1x16xf32, #tpu.memory_space<hbm>> -> memref<16xf32, #tpu.memory_space<hbm>>
      tpu.wait_dma2 semaphore(%run_scoped3A : memref<!tpu.dma_semaphore, #tpu.memory_space<semaphore_mem>>) src(%arg9 : memref<16xf32, #tpu.memory_space<vmem>>) dst(%dma_wait3A_209 : memref<16xf32, #tpu.memory_space<hbm>>)
      tpu.yield
    }) : () -> ()
    "tpu.region"() ({
      %run_scoped3A = tpu.sem_alloc : memref<!tpu.dma_semaphore, #tpu.memory_space<semaphore_mem>>
      %dma_start3A = arith.constant 0 : i32
      %dma_start3A_200 = tpu.memref_slice %arg5[%add3A, %dma_start3A] : memref<32x16xf32, #tpu.memory_space<hbm>> -> memref<1x16xf32, #tpu.memory_space<hbm>>
      %dma_start3A_201 = tpu.memref_squeeze %dma_start3A_200 : memref<1x16xf32, #tpu.memory_space<hbm>> -> memref<16xf32, #tpu.memory_space<hbm>>
      %dma_start3A_202 = arith.constant 0 : i32
      %dma_start3A_203 = tpu.memref_slice %arg5[%add3A, %dma_start3A_202] : memref<32x16xf32, #tpu.memory_space<hbm>> -> memref<1x16xf32, #tpu.memory_space<hbm>>
      %dma_start3A_204 = tpu.memref_squeeze %dma_start3A_203 : memref<1x16xf32, #tpu.memory_space<hbm>> -> memref<16xf32, #tpu.memory_space<hbm>>
      tpu.enqueue_dma source(%arg10 : memref<16xf32, #tpu.memory_space<vmem>>) target(%dma_start3A_204 : memref<16xf32, #tpu.memory_space<hbm>>) target_semaphore(%run_scoped3A : memref<!tpu.dma_semaphore, #tpu.memory_space<semaphore_mem>>)
      %dma_wait3A = arith.constant 0 : i32
      %dma_wait3A_205 = tpu.memref_slice %arg5[%add3A, %dma_wait3A] : memref<32x16xf32, #tpu.memory_space<hbm>> -> memref<1x16xf32, #tpu.memory_space<hbm>>
      %dma_wait3A_206 = tpu.memref_squeeze %dma_wait3A_205 : memref<1x16xf32, #tpu.memory_space<hbm>> -> memref<16xf32, #tpu.memory_space<hbm>>
      %dma_wait3A_207 = arith.constant 0 : i32
      %dma_wait3A_208 = tpu.memref_slice %arg5[%add3A, %dma_wait3A_207] : memref<32x16xf32, #tpu.memory_space<hbm>> -> memref<1x16xf32, #tpu.memory_space<hbm>>
      %dma_wait3A_209 = tpu.memref_squeeze %dma_wait3A_208 : memref<1x16xf32, #tpu.memory_space<hbm>> -> memref<16xf32, #tpu.memory_space<hbm>>
      tpu.wait_dma2 semaphore(%run_scoped3A : memref<!tpu.dma_semaphore, #tpu.memory_space<semaphore_mem>>) src(%arg10 : memref<16xf32, #tpu.memory_space<vmem>>) dst(%dma_wait3A_209 : memref<16xf32, #tpu.memory_space<hbm>>)
      tpu.yield
    }) : () -> ()
    "tpu.region"() ({
      %run_scoped3A = tpu.sem_alloc : memref<!tpu.dma_semaphore, #tpu.memory_space<semaphore_mem>>
      %dma_start3A = arith.constant 0 : i32
      %dma_start3A_200 = tpu.memref_slice %arg6[%add3A, %dma_start3A] : memref<32x16xf32, #tpu.memory_space<hbm>> -> memref<1x16xf32, #tpu.memory_space<hbm>>
      %dma_start3A_201 = tpu.memref_squeeze %dma_start3A_200 : memref<1x16xf32, #tpu.memory_space<hbm>> -> memref<16xf32, #tpu.memory_space<hbm>>
      %dma_start3A_202 = arith.constant 0 : i32
      %dma_start3A_203 = tpu.memref_slice %arg6[%add3A, %dma_start3A_202] : memref<32x16xf32, #tpu.memory_space<hbm>> -> memref<1x16xf32, #tpu.memory_space<hbm>>
      %dma_start3A_204 = tpu.memref_squeeze %dma_start3A_203 : memref<1x16xf32, #tpu.memory_space<hbm>> -> memref<16xf32, #tpu.memory_space<hbm>>
      tpu.enqueue_dma source(%arg11 : memref<16xf32, #tpu.memory_space<vmem>>) target(%dma_start3A_204 : memref<16xf32, #tpu.memory_space<hbm>>) target_semaphore(%run_scoped3A : memref<!tpu.dma_semaphore, #tpu.memory_space<semaphore_mem>>)
      %dma_wait3A = arith.constant 0 : i32
      %dma_wait3A_205 = tpu.memref_slice %arg6[%add3A, %dma_wait3A] : memref<32x16xf32, #tpu.memory_space<hbm>> -> memref<1x16xf32, #tpu.memory_space<hbm>>
      %dma_wait3A_206 = tpu.memref_squeeze %dma_wait3A_205 : memref<1x16xf32, #tpu.memory_space<hbm>> -> memref<16xf32, #tpu.memory_space<hbm>>
      %dma_wait3A_207 = arith.constant 0 : i32
      %dma_wait3A_208 = tpu.memref_slice %arg6[%add3A, %dma_wait3A_207] : memref<32x16xf32, #tpu.memory_space<hbm>> -> memref<1x16xf32, #tpu.memory_space<hbm>>
      %dma_wait3A_209 = tpu.memref_squeeze %dma_wait3A_208 : memref<1x16xf32, #tpu.memory_space<hbm>> -> memref<16xf32, #tpu.memory_space<hbm>>
      tpu.wait_dma2 semaphore(%run_scoped3A : memref<!tpu.dma_semaphore, #tpu.memory_space<semaphore_mem>>) src(%arg11 : memref<16xf32, #tpu.memory_space<vmem>>) dst(%dma_wait3A_209 : memref<16xf32, #tpu.memory_space<hbm>>)
      tpu.yield
    }) : () -> ()
    return
  }
}

module attributes {stable_mosaic.version = 14 : i64} {
  func.func @_moe_body(%arg0: i32, %arg1: i32, %arg2: memref<32x1024xf32, #tpu.memory_space<vmem>>, %arg3: memref<32x8xf32, #tpu.memory_space<vmem>>, %arg4: memref<32x8xf32, #tpu.memory_space<vmem>>, %arg5: memref<32x8xf32, #tpu.memory_space<vmem>>, %arg6: memref<1x1024x1024xf32, #tpu.memory_space<vmem>>, %arg7: memref<1x1x1x1024xf32, #tpu.memory_space<vmem>>, %arg8: memref<1x1024x1024xf32, #tpu.memory_space<vmem>>, %arg9: memref<1x1x1024xf32, #tpu.memory_space<vmem>>, %arg10: memref<32x1024xf32, #tpu.memory_space<vmem>>, %arg11: memref<1x1xf32, #tpu.memory_space<vmem>>) attributes {dimension_semantics = [#tpu.dimension_semantics<arbitrary>, #tpu.dimension_semantics<arbitrary>], iteration_bounds = array<i64: 8, 4>, scalar_prefetch = 0 : i64, scratch_operands = 0 : i64, tpu.core_type = #tpu.core_type<tc>, window_params = [{pipeline_mode = #tpu.pipeline_mode<synchronous>, transform_indices = @transform_0, window_bounds = array<i64: 32, 1024>}, {pipeline_mode = #tpu.pipeline_mode<synchronous>, transform_indices = @transform_1, window_bounds = array<i64: 32, 8>}, {pipeline_mode = #tpu.pipeline_mode<synchronous>, transform_indices = @transform_2, window_bounds = array<i64: 32, 8>}, {pipeline_mode = #tpu.pipeline_mode<synchronous>, transform_indices = @transform_3, window_bounds = array<i64: 32, 8>}, {transform_indices = @transform_4, window_bounds = array<i64: 1, 1024, 1024>}, {transform_indices = @transform_5, window_bounds = array<i64: 1, 1, 1, 1024>}, {transform_indices = @transform_6, window_bounds = array<i64: 1, 1024, 1024>}, {transform_indices = @transform_7, window_bounds = array<i64: 1, 1, 1024>}, {pipeline_mode = #tpu.pipeline_mode<synchronous>, transform_indices = @transform_8, window_bounds = array<i64: 32, 1024>}, {pipeline_mode = #tpu.pipeline_mode<synchronous>, transform_indices = @transform_9, window_bounds = array<i64: 1, 1>}]} {
    %eq3A = arith.constant 0 : i32
    %eq3A_0 = arith.cmpi eq, %arg0, %eq3A : i32
    %eq3A_1 = arith.constant 0 : i32
    %eq3A_2 = arith.cmpi eq, %arg1, %eq3A_1 : i32
    %and3A = arith.andi %eq3A_0, %eq3A_2 : i1
    %convert_element_type3A = arith.extui %and3A : i1 to i32
    %cond3A = arith.constant 0 : i32
    %cond3A_3 = arith.cmpi ne, %convert_element_type3A, %cond3A : i32
    scf.if %cond3A_3 {
      %get3A_60 = arith.constant 0 : index
      %get3A_61 = arith.constant 0 : index
      %get3A_62 = vector.load %arg5[%get3A_60, %get3A_61] : memref<32x8xf32, #tpu.memory_space<vmem>>, vector<32x8xf32>
      %reduce_sum3A_63 = arith.constant dense<0.000000e+00> : vector<8xf32>
      %reduce_sum3A_64 = vector.multi_reduction <add>, %get3A_62, %reduce_sum3A_63 [0] : vector<32x8xf32> to vector<8xf32>
      %broadcast_in_dim3A_65 = vector.shape_cast %reduce_sum3A_64 : vector<8xf32> to vector<1x8xf32>
      %div3A = arith.constant 3.200000e+01 : f32
      %div3A_66 = vector.broadcast %div3A : f32 to vector<1x8xf32>
      %div3A_67 = arith.divf %broadcast_in_dim3A_65, %div3A_66 : vector<1x8xf32>
      %get3A_68 = arith.constant 0 : index
      %get3A_69 = arith.constant 0 : index
      %get3A_70 = vector.load %arg4[%get3A_68, %get3A_69] : memref<32x8xf32, #tpu.memory_space<vmem>>, vector<32x8xf32>
      %reduce_sum3A_71 = arith.constant dense<0.000000e+00> : vector<8xf32>
      %reduce_sum3A_72 = vector.multi_reduction <add>, %get3A_70, %reduce_sum3A_71 [0] : vector<32x8xf32> to vector<8xf32>
      %broadcast_in_dim3A_73 = vector.shape_cast %reduce_sum3A_72 : vector<8xf32> to vector<1x8xf32>
      %div3A_74 = arith.constant 3.200000e+01 : f32
      %div3A_75 = vector.broadcast %div3A_74 : f32 to vector<1x8xf32>
      %div3A_76 = arith.divf %broadcast_in_dim3A_73, %div3A_75 : vector<1x8xf32>
      %mul3A_77 = arith.mulf %div3A_67, %div3A_76 : vector<1x8xf32>
      %reduce_sum3A_78 = arith.constant dense<0.000000e+00> : vector<1xf32>
      %reduce_sum3A_79 = vector.multi_reduction <add>, %mul3A_77, %reduce_sum3A_78 [1] : vector<1x8xf32> to vector<1xf32>
      %broadcast_in_dim3A_80 = vector.shape_cast %reduce_sum3A_79 : vector<1xf32> to vector<1x1xf32>
      %mul3A_81 = arith.constant 8.000000e-02 : f32
      %mul3A_82 = vector.broadcast %mul3A_81 : f32 to vector<1x1xf32>
      %mul3A_83 = arith.mulf %mul3A_82, %broadcast_in_dim3A_80 : vector<1x1xf32>
      %swap3A_84 = arith.constant 0 : index
      %swap3A_85 = arith.constant 0 : index
      %swap3A_86 = vector.load %arg11[%swap3A_84, %swap3A_85] : memref<1x1xf32, #tpu.memory_space<vmem>>, vector<1x1xf32>
      tpu.vector_store %arg11[%swap3A_84, %swap3A_85], %mul3A_83 {strides = array<i32>} : memref<1x1xf32, #tpu.memory_space<vmem>>, vector<1x1xf32>,
      %broadcast_in_dim3A_87 = arith.constant 0.000000e+00 : f32
      %broadcast_in_dim3A_88 = vector.broadcast %broadcast_in_dim3A_87 : f32 to vector<32x1024xf32>
      %swap3A_89 = arith.constant 0 : index
      %swap3A_90 = arith.constant 0 : index
      %swap3A_91 = vector.load %arg10[%swap3A_89, %swap3A_90] : memref<32x1024xf32, #tpu.memory_space<vmem>>, vector<32x1024xf32>
      tpu.vector_store %arg10[%swap3A_89, %swap3A_90], %broadcast_in_dim3A_88 {strides = array<i32>} : memref<32x1024xf32, #tpu.memory_space<vmem>>, vector<32x1024xf32>,
    } else {
    }
    %get3A = arith.constant 0 : index
    %get3A_4 = arith.constant 0 : index
    %get3A_5 = vector.load %arg2[%get3A, %get3A_4] : memref<32x1024xf32, #tpu.memory_space<vmem>>, vector<32x1024xf32>
    %convert_element_type3A_6 = arith.truncf %get3A_5 : vector<32x1024xf32> to vector<32x1024xbf16>
    %get3A_7 = arith.constant 0 : index
    %get3A_8 = arith.constant 0 : index
    %get3A_9 = arith.constant 0 : index
    %get3A_10 = vector.load %arg6[%get3A_7, %get3A_8, %get3A_9] : memref<1x1024x1024xf32, #tpu.memory_space<vmem>>, vector<1x1024x1024xf32>
    %get3A_11 = vector.shape_cast %get3A_10 : vector<1x1024x1024xf32> to vector<1024x1024xf32>
    %convert_element_type3A_12 = arith.truncf %get3A_11 : vector<1024x1024xf32> to vector<1024x1024xbf16>
    %dot_general3A = arith.constant dense<0.000000e+00> : vector<32x1024xf32>
    %dot_general3A_13 = tpu.matmul %convert_element_type3A_6, %convert_element_type3A_12, %dot_general3A {dimension_numbers = #tpu.dot_dimension_numbers<[1], [1], [0], [0], [0, 0, 1, 0], [], []>, transpose_lhs_hint = false} : vector<32x1024xbf16>, vector<1024x1024xbf16>, vector<32x1024xf32> -> vector<32x1024xf32>
    %get3A_14 = arith.constant 0 : index
    %get3A_15 = arith.constant 0 : index
    %get3A_16 = arith.constant 0 : index
    %get3A_17 = arith.constant 0 : index
    %get3A_18 = vector.load %arg7[%get3A_14, %get3A_15, %get3A_16, %get3A_17] : memref<1x1x1x1024xf32, #tpu.memory_space<vmem>>, vector<1x1x1x1024xf32>
    %get3A_19 = vector.shape_cast %get3A_18 : vector<1x1x1x1024xf32> to vector<1024xf32>
    %broadcast_in_dim3A = vector.shape_cast %get3A_19 : vector<1024xf32> to vector<1x1024xf32>
    %add3A = vector.broadcast %broadcast_in_dim3A : vector<1x1024xf32> to vector<32x1024xf32>
    %add3A_20 = arith.addf %dot_general3A_13, %add3A : vector<32x1024xf32>
    %mul3A = arith.constant 5.000000e-01 : f32
    %mul3A_21 = vector.broadcast %mul3A : f32 to vector<32x1024xf32>
    %mul3A_22 = arith.mulf %mul3A_21, %add3A_20 : vector<32x1024xf32>
    %mul3A_23 = arith.constant 0.707106769 : f32
    %mul3A_24 = vector.broadcast %mul3A_23 : f32 to vector<32x1024xf32>
    %mul3A_25 = arith.mulf %add3A_20, %mul3A_24 : vector<32x1024xf32>
    %erf3A = math.erf %mul3A_25 : vector<32x1024xf32>
    %add3A_26 = arith.constant 1.000000e+00 : f32
    %add3A_27 = vector.broadcast %add3A_26 : f32 to vector<32x1024xf32>
    %add3A_28 = arith.addf %add3A_27, %erf3A : vector<32x1024xf32>
    %mul3A_29 = arith.mulf %mul3A_22, %add3A_28 : vector<32x1024xf32>
    %convert_element_type3A_30 = arith.truncf %mul3A_29 : vector<32x1024xf32> to vector<32x1024xbf16>
    %get3A_31 = arith.constant 0 : index
    %get3A_32 = arith.constant 0 : index
    %get3A_33 = arith.constant 0 : index
    %get3A_34 = vector.load %arg8[%get3A_31, %get3A_32, %get3A_33] : memref<1x1024x1024xf32, #tpu.memory_space<vmem>>, vector<1x1024x1024xf32>
    %get3A_35 = vector.shape_cast %get3A_34 : vector<1x1024x1024xf32> to vector<1024x1024xf32>
    %convert_element_type3A_36 = arith.truncf %get3A_35 : vector<1024x1024xf32> to vector<1024x1024xbf16>
    %dot_general3A_37 = arith.constant dense<0.000000e+00> : vector<32x1024xf32>
    %dot_general3A_38 = tpu.matmul %convert_element_type3A_30, %convert_element_type3A_36, %dot_general3A_37 {dimension_numbers = #tpu.dot_dimension_numbers<[1], [1], [0], [0], [0, 0, 1, 0], [], []>, transpose_lhs_hint = false} : vector<32x1024xbf16>, vector<1024x1024xbf16>, vector<32x1024xf32> -> vector<32x1024xf32>
    %iota3A = tpu.iota {dimensions = array<i32: 1>} : vector<32x8xi32>
    %eq3A_39 = vector.broadcast %arg0 : i32 to vector<32x8xi32>
    %eq3A_40 = arith.cmpi eq, %iota3A, %eq3A_39 : vector<32x8xi32>
    %get3A_41 = arith.constant 0 : index
    %get3A_42 = arith.constant 0 : index
    %get3A_43 = vector.load %arg3[%get3A_41, %get3A_42] : memref<32x8xf32, #tpu.memory_space<vmem>>, vector<32x8xf32>
    %jit3A = arith.constant 0.000000e+00 : f32
    %broadcast_in_dim3A_44 = vector.broadcast %jit3A : f32 to vector<32x8xf32>
    %select_n3A = arith.select %eq3A_40, %get3A_43, %broadcast_in_dim3A_44 : vector<32x8xi1>, vector<32x8xf32>
    %reduce_sum3A = arith.constant dense<0.000000e+00> : vector<32xf32>
    %reduce_sum3A_45 = vector.multi_reduction <add>, %select_n3A, %reduce_sum3A [1] : vector<32x8xf32> to vector<32xf32>
    %broadcast_in_dim3A_46 = vector.shape_cast %reduce_sum3A_45 : vector<32xf32> to vector<32x1xf32>
    %get3A_47 = arith.constant 0 : index
    %get3A_48 = arith.constant 0 : index
    %get3A_49 = vector.load %arg10[%get3A_47, %get3A_48] : memref<32x1024xf32, #tpu.memory_space<vmem>>, vector<32x1024xf32>
    %mul3A_50 = vector.broadcast %broadcast_in_dim3A_46 : vector<32x1xf32> to vector<32x1024xf32>
    %mul3A_51 = arith.mulf %mul3A_50, %dot_general3A_38 : vector<32x1024xf32>
    %add3A_52 = arith.addf %get3A_49, %mul3A_51 : vector<32x1024xf32>
    %swap3A = arith.constant 0 : index
    %swap3A_53 = arith.constant 0 : index
    %swap3A_54 = vector.load %arg10[%swap3A, %swap3A_53] : memref<32x1024xf32, #tpu.memory_space<vmem>>, vector<32x1024xf32>
    tpu.vector_store %arg10[%swap3A, %swap3A_53], %add3A_52 {strides = array<i32>} : memref<32x1024xf32, #tpu.memory_space<vmem>>, vector<32x1024xf32>,
    %eq3A_55 = arith.constant 0 : i32
    %eq3A_56 = arith.cmpi eq, %arg1, %eq3A_55 : i32
    %convert_element_type3A_57 = arith.extui %eq3A_56 : i1 to i32
    %cond3A_58 = arith.constant 0 : i32
    %cond3A_59 = arith.cmpi ne, %convert_element_type3A_57, %cond3A_58 : i32
    scf.if %cond3A_59 {
      %get3A_60 = arith.constant 0 : index
      %get3A_61 = arith.constant 0 : index
      %get3A_62 = vector.load %arg10[%get3A_60, %get3A_61] : memref<32x1024xf32, #tpu.memory_space<vmem>>, vector<32x1024xf32>
      %get3A_63 = arith.constant 0 : index
      %get3A_64 = arith.constant 0 : index
      %get3A_65 = arith.constant 0 : index
      %get3A_66 = vector.load %arg9[%get3A_63, %get3A_64, %get3A_65] : memref<1x1x1024xf32, #tpu.memory_space<vmem>>, vector<1x1x1024xf32>
      %get3A_67 = vector.shape_cast %get3A_66 : vector<1x1x1024xf32> to vector<1x1024xf32>
      %mul3A_68 = vector.broadcast %broadcast_in_dim3A_46 : vector<32x1xf32> to vector<32x1024xf32>
      %mul3A_69 = vector.broadcast %get3A_67 : vector<1x1024xf32> to vector<32x1024xf32>
      %mul3A_70 = arith.mulf %mul3A_68, %mul3A_69 : vector<32x1024xf32>
      %add3A_71 = arith.addf %get3A_62, %mul3A_70 : vector<32x1024xf32>
      %swap3A_72 = arith.constant 0 : index
      %swap3A_73 = arith.constant 0 : index
      %swap3A_74 = vector.load %arg10[%swap3A_72, %swap3A_73] : memref<32x1024xf32, #tpu.memory_space<vmem>>, vector<32x1024xf32>
      tpu.vector_store %arg10[%swap3A_72, %swap3A_73], %add3A_71 {strides = array<i32>} : memref<32x1024xf32, #tpu.memory_space<vmem>>, vector<32x1024xf32>,
    } else {
    }
    return
  }
  func.func @transform_0(%arg0: i32, %arg1: i32) -> (i32, i32) {
    %c0_i32 = arith.constant 0 : i32
    %c0_i32_0 = arith.constant 0 : i32
    %c0_i32_1 = arith.constant 0 : i32
    return %c0_i32, %c0_i32_0 : i32, i32
  }
  func.func @transform_1(%arg0: i32, %arg1: i32) -> (i32, i32) {
    %c0_i32 = arith.constant 0 : i32
    %c0_i32_0 = arith.constant 0 : i32
    %c0_i32_1 = arith.constant 0 : i32
    return %c0_i32, %c0_i32_0 : i32, i32
  }
  func.func @transform_2(%arg0: i32, %arg1: i32) -> (i32, i32) {
    %c0_i32 = arith.constant 0 : i32
    %c0_i32_0 = arith.constant 0 : i32
    %c0_i32_1 = arith.constant 0 : i32
    return %c0_i32, %c0_i32_0 : i32, i32
  }
  func.func @transform_3(%arg0: i32, %arg1: i32) -> (i32, i32) {
    %c0_i32 = arith.constant 0 : i32
    %c0_i32_0 = arith.constant 0 : i32
    %c0_i32_1 = arith.constant 0 : i32
    return %c0_i32, %c0_i32_0 : i32, i32
  }
  func.func @transform_4(%arg0: i32, %arg1: i32) -> (i32, i32, i32) {
    %c0_i32 = arith.constant 0 : i32
    %c0_i32_0 = arith.constant 0 : i32
    return %arg0, %arg1, %c0_i32 : i32, i32, i32
  }
  func.func @transform_5(%arg0: i32, %arg1: i32) -> (i32, i32, i32, i32) {
    %c0_i32 = arith.constant 0 : i32
    %c0_i32_0 = arith.constant 0 : i32
    %c0_i32_1 = arith.constant 0 : i32
    return %arg0, %arg1, %c0_i32, %c0_i32_0 : i32, i32, i32, i32
  }
  func.func @transform_6(%arg0: i32, %arg1: i32) -> (i32, i32, i32) {
    %c0_i32 = arith.constant 0 : i32
    %c0_i32_0 = arith.constant 0 : i32
    return %arg0, %c0_i32, %arg1 : i32, i32, i32
  }
  func.func @transform_7(%arg0: i32, %arg1: i32) -> (i32, i32, i32) {
    %c0_i32 = arith.constant 0 : i32
    %c0_i32_0 = arith.constant 0 : i32
    %c0_i32_1 = arith.constant 0 : i32
    return %arg0, %c0_i32, %c0_i32_0 : i32, i32, i32
  }
  func.func @transform_8(%arg0: i32, %arg1: i32) -> (i32, i32) {
    %c0_i32 = arith.constant 0 : i32
    %c0_i32_0 = arith.constant 0 : i32
    %c0_i32_1 = arith.constant 0 : i32
    return %c0_i32, %c0_i32_0 : i32, i32
  }
  func.func @transform_9(%arg0: i32, %arg1: i32) -> (i32, i32) {
    %c0_i32 = arith.constant 0 : i32
    %c0_i32_0 = arith.constant 0 : i32
    %c0_i32_1 = arith.constant 0 : i32
    return %c0_i32, %c0_i32_0 : i32, i32
  }
}

</mosaic_0001>

<sc_bundles>
// kernel: _moe.4.cloned.1.call-start
scs
__scs_entry_jumppad:
0x0: {  	(pc) =	sbr.rel $0x88, $3  }
0x1: {  	(tag) =	ssettag $0x0;
	lr =	simm.s32 $0x1  }
0x2: {  	[smem:$0x3F9B] =	sst lr;
	_ =	strace $0xD0000000  }
0x3: {  	_ = 	snop  }
0x4: {  	_ = 	snop  }
0x5: {  	_ = 	snop  }
0x6: {  	_ = 	snop  }
0x7: {  	_ = 	snop  }
__scs_overlays_trampoline_lowered:
0x8: {  	[smem:$0x3FAA] =	sst s0  }
0x9: {  	[smem:$0x3FAB] =	sst s1  }
0xa: {  	[smem:$0x3FAC] =	sst s2  }
0xb: {  	[smem:$0x3FAD] =	sst s3  }
0xc: {  	[smem:$0x3FAE] =	sst s4  }
0xd: {  	[smem:$0x3FAF] =	sst s5  }
0xe: {  	[smem:$0x3FB0] =	sst s6  }
0xf: {  	[smem:$0x3FB1] =	sst s7  }
0x10: {  	[smem:$0x3FB2] =	sst s8  }
0x11: {  	[smem:$0x3FB3] =	sst s9;
	s0 =	simm.s32 @!p0 $0x0  }
0x12: {  	s1 =	sld [smem:$0x3F99];
	s0 =	simm.s32 @p0 $0x1  }
0x13: {  	[smem:$0x3FB4] =	sst s0;
	s0 =	simm.s32 @!p1 $0x0  }
0x14: {  	s2 =	sld [smem:$0x3F98];
	s0 =	simm.s32 @p1 $0x1  }
0x15: {  	[smem:$0x3FB5] =	sst s0;
	s0 =	simm.s32 @!p2 $0x0  }
0x16: {  	s3 =	sld [smem:$0x3FDB];
	s0 =	simm.s32 @p2 $0x1  }
0x17: {  	s4 =	simm.s32 $0x1BF5;
	[smem:$0x3FB7] =	sst s0  }
0x18: {  	s0 =	sld [smem:$0x3F9A];
	_ =	swait.ge [sflag:s4], $0x0  }
0x19: {  	s7 =	sld [smem:$0x3F9B]  }
0x1a: {  	s8 =	sadd.s32 $0xFFFFE003, lr  }
0x1b: {  	s9 =	sadd.s32 $0xFFFFFEF7, lr;
	s5 =	simm.s32 $0xFFFFFFFF;
	p2 =	slt.u32 s8, $0xFFFFF086  }
0x1c: {  	p1 =	slt.u32 s9, $0xF7A;
	s5 =	simm.s32 @!p2 $0x0  }
0x1d: {  	s5 =	simm.s32 @p1 $0x1;
	p0 =	seq.s32 s7, s2  }
0x1e: {  	s7 =	smul.u32 @!p0 $0xF7A, s2;
	p2 =	seq.s32 @!p0 s5, $0x0  }
0x1f: {  	s9 =	smul.u32 $0xF7A, s1;
	s8 =	simm.s32 @!p0 $0x1BF5;
	p2 =	por !p2, p0  }
0x20: {  	[sflag:s8] =	ssyncset.s32 @!p0 $0xFFFFF086;
	s6 =	sadd.s32 @!p0 s3, s7;
	s7 =	simm.s32 @!p0 $0x108  }
0x21: {  	s3 =	sadd.s32 s3, s9;
	s6 =	sadd.s32 @!p0 $0x88, s6;
	s7 =	simm.s32 @p2 $0x1082  }
0x22: {  	[simem:s7], [sflag:s8] =	dma.local @!p0 [hbm:s6], $0xF7A  }
0x23: {  	s9 =	sor.u32 $0xD0000000, s2;
	s6 =	simm.s32 $0x108;
	_ =	swait.ge @!p0 [sflag:s8], $0x0  }
0x24: {  	s3 =	sadd.s32 $0x88, s3;
	s6 =	simm.s32 @!p1 $0x1082;
	[sflag:s4] =	ssyncset.s32 $0xFFFFF086  }
0x25: {  	[simem:s6], [sflag:s4] =	dma.local [hbm:s3], $0xF7A  }
0x26: {  	[smem:$0x3F9B] =	sst s1;
	(tag) =	ssettag s2;
	_ =	strace s9  }
0x27: {  	s1 =	sld [smem:$0x3FAB]  }
0x28: {  	s2 =	sld [smem:$0x3FAC]  }
0x29: {  	s4 =	sld [smem:$0x3FAE]  }
0x2a: {  	p0 =	seq.s32 s5, $0x0;
	s5 =	sld [smem:$0x3FAF]  }
0x2b: {  	s6 =	sld [smem:$0x3FB0]  }
0x2c: {  	s7 =	sld [smem:$0x3FB1]  }
0x2d: {  	s3 =	simm.s32 $0x108;
	s8 =	sld [smem:$0x3FB2]  }
0x2e: {  	s3 =	simm.s32 @!p0 $0x1082;
	s9 =	sld [smem:$0x3FB3]  }
0x2f: {  	lr =	sadd.s32 s0, s3;
	s0 =	sld [smem:$0x3FAA]  }
0x30: {  	s3 =	sld [smem:$0x3FAD]  }
0x31: {  	[smem:$0x3FB6] =	sst s10  }
0x32: {  	s10 =	sld [smem:$0x3FB4];
	_ =	sdelay $0x3  }
0x33: {  	p0 =	seq.s32 s10, $0x1;
	s10 =	sld [smem:$0x3FB6];
	_ =	sdelay $0x3  }
0x34: {  	[smem:$0x3FB6] =	sst s10  }
0x35: {  	s10 =	sld [smem:$0x3FB5];
	_ =	sdelay $0x3  }
0x36: {  	p1 =	seq.s32 s10, $0x1;
	s10 =	sld [smem:$0x3FB6];
	_ =	sdelay $0x3  }
0x37: {  	[smem:$0x3FB6] =	sst s10  }
0x38: {  	s10 =	sld [smem:$0x3FB7]  }
0x39: {  	_ = 	snop;
	(pc) =	sbr.ind lr, $3  }
0x3a: {  	_ = 	snop  }
0x3b: {  	_ = 	snop  }
0x3c: {  	p2 =	seq.s32 s10, $0x1;
	s10 =	sld [smem:$0x3FB6]  }
0x3d: {  	_ =	shalt  }
0x3e: {  	_ =	shalt  }
0x3f: {  	_ =	shalt  }
0x40: {  	_ =	shalt  }
0x41: {  	_ =	shalt  }
0x42: {  	_ =	shalt  }
0x43: {  	_ =	shalt  }
0x44: {  	_ =	shalt  }
0x45: {  	_ =	shalt  }
0x46: {  	_ =	shalt  }
0x47: {  	_ =	shalt  }
0x48: {  	_ =	shalt  }
0x49: {  	_ =	shalt  }
0x4a: {  	_ =	shalt  }
0x4b: {  	_ =	shalt  }
0x4c: {  	_ =	shalt  }
0x4d: {  	_ =	shalt  }
0x4e: {  	_ =	shalt  }
0x4f: {  	_ =	shalt  }
0x50: {  	_ =	shalt  }
0x51: {  	_ =	shalt  }
0x52: {  	_ =	shalt  }
0x53: {  	_ =	shalt  }
0x54: {  	_ =	shalt  }
0x55: {  	_ =	shalt  }
0x56: {  	_ =	shalt  }
0x57: {  	_ =	shalt  }
0x58: {  	_ =	shalt  }
0x59: {  	_ =	shalt  }
0x5a: {  	_ =	shalt  }
0x5b: {  	_ =	shalt  }
0x5c: {  	_ =	shalt  }
0x5d: {  	_ =	shalt  }
0x5e: {  	_ =	shalt  }
0x5f: {  	_ =	shalt  }
0x60: {  	_ =	shalt  }
0x61: {  	_ =	shalt  }
0x62: {  	_ =	shalt  }
0x63: {  	_ =	shalt  }
0x64: {  	_ =	shalt  }
0x65: {  	_ =	shalt  }
0x66: {  	_ =	shalt  }
0x67: {  	_ =	shalt  }
0x68: {  	_ =	shalt  }
0x69: {  	_ =	shalt  }
0x6a: {  	_ =	shalt  }
0x6b: {  	_ =	shalt  }
0x6c: {  	_ =	shalt  }
0x6d: {  	_ =	shalt  }
0x6e: {  	_ =	shalt  }
0x6f: {  	_ =	shalt  }
0x70: {  	_ =	shalt  }
0x71: {  	_ =	shalt  }
0x72: {  	_ =	shalt  }
0x73: {  	_ =	shalt  }
0x74: {  	_ =	shalt  }
0x75: {  	_ =	shalt  }
0x76: {  	_ =	shalt  }
0x77: {  	_ =	shalt  }
0x78: {  	_ =	shalt  }
0x79: {  	_ =	shalt  }
0x7a: {  	_ =	shalt  }
0x7b: {  	_ =	shalt  }
0x7c: {  	_ =	shalt  }
0x7d: {  	_ =	shalt  }
0x7e: {  	_ =	shalt  }
0x7f: {  	_ =	shalt  }
0x80: {  	_ =	shalt  }
0x81: {  	_ =	shalt  }
0x82: {  	_ =	shalt  }
0x83: {  	_ =	shalt  }
0x84: {  	_ =	shalt  }
0x85: {  	_ =	shalt  }
0x86: {  	_ =	shalt  }
0x87: {  	_ =	shalt  }
.Lfunc_end0:
.L_simem_size_0:
called_computation_lowered:
.L_overlay_start_0:
0x88: {  	s2 =	sld [smem:$0x3FD9]  }
0x89: {  	s3 =	sld [smem:$0x3FFE];
	_ =	sdelay $0x1  }
0x8a: {  	s1 =	srdreg.scid  }
0x8b: {  	s0 =	sand.u32 $0x1, s1  }
0x8c: {  	s14 =	sshll.u32 s0, $0xA;
	s2 =	sadd.s32 s3, s2  }
0x8d: {  	s2 =	sadd.s32 s2, s14  }
0x8e: {  	[smem:$0x3FC2] =	sst s2  }
0x8f: {  	_ = 	snop  }
0x90: {  	s2 =	sld [smem:$0x3FD0];
	_ =	sdelay $0x1  }
0x91: {  	s15 =	sld [smem:$0x3FC9]  }
0x92: {  	s5 =	simm.s32 $0xA;
	s6 =	simm.s32 $0x10;
	s4 =	sld [smem:$0x3FC8]  }
0x93: {  	[smem:s6], [sflag:s5] =	dma.local [hbm:s2], $0x1  }
0x94: {  	_ =	swait.eq [sflag:s5], $0x1  }
0x95: {  	[sflag:s5] =	ssyncset.done $0x0  }
0x96: {  	[sflag:s5] =	ssyncadd.s32 $0xFFFFFFFF  }
0x97: {  	s16 =	sld [smem:$0x10];
	(tm) =	ssettm $0x1  }
0x98: {  	s17 =	sld [smem:$0x3FFB];
	_ =	sdelay $0x3  }
0x99: {  	_ =	strace s17  }
0x9a: {  	s5 =	sld [smem:$0x3FFC];
	_ =	sdelay $0x3  }
0x9b: {  	_ =	strace s5  }
0x9c: {  	s5 =	sld [smem:$0x3FFD];
	_ =	sdelay $0x3  }
0x9d: {  	_ =	strace s5  }
0x9e: {  	_ =	strace $0x8FFFFFFF  }
0x9f: {  	s18 =	sld [smem:$0x3FDB];
	_ =	sdelay $0x1  }
0xa0: {  	s19 =	simm.s32 $_scs_section_size  }
0xa1: {  	s7 =	simm.s32 $_size__tile_overlayer_lowered;
	s8 =	simm.s32 $_tile_overlayer_lowered  }
0xa2: {  	s22 =	simm.s32 $0x1BFF;
	s21 =	sshll.u32 s8, $0x1;
	s5 =	sadd.s32 s19, s18  }
0xa3: {  	s9 =	simm.s32 $0x0;
	s20 =	sshll.u32 s7, $0x1;
	s7 =	sadd.s32 s21, s5  }
0xa4: {  	[timem:s9], [sflag:s22] =	dma.local [hbm:s7], s20  }
0xa5: {  	_ =	swait.ge [sflag:s22], s20  }
0xa6: {  	s6 =	ssub.s32 $0x0, s20;
	[sflag:s22] =	ssyncset.done $0x0  }
0xa7: {  	[sflag:s22] =	ssyncadd.s32 s6;
	_ =	sdelay $0x1  }
0xa8: {  	s23 =	simm.s32 $0x1B8B  }
0xa9: {  	_ =	swait.ge [sflag:s23], $0x1  }
0xaa: {  	[sflag:s23] =	ssyncset.done $0x0  }
0xab: {  	s25 =	simm.s32 $0x1B8E;
	s24 =	sld [smem:$0x3FFE];
	[sflag:s23] =	ssyncadd.s32 $0xFFFFFFFF  }
0xac: {  	s26 =	simm.s32 $execute0_lowered;
	[smem:$0x3FD2] =	sst s25  }
0xad: {  	s7 =	sshll.u32 s26, $0x1;
	_ =	strace $0x80000046;
	[dreg:$0x1] =	wrdreg $0xFFFFFFFF  }
0xae: {  	s28 =	simm.s32 $_size_execute0_lowered;
	s5 =	sadd.s32 s5, s7;
	[dreg:$0x0] =	wrdreg $0x0  }
0xaf: {  	s7 =	sshll.u32 s28, $0x1;
	[dreg:$0x2] =	wrdreg s5  }
0xb0: {  	[dreg:$0x3] =	wrdreg s7  }
0xb1: {  	[dreg:$0x4] =	wrdreg $0xC0  }
0xb2: {  	_ =	task [dreg:s9], $0x5FFFF  }
0xb3: {  	[dreg:$0x1] =	wrdreg $0xFFFFFFFF  }
0xb4: {  	[dreg:$0x0] =	wrdreg $0x60  }
0xb5: {  	[dreg:$0x2] =	wrdreg s15  }
0xb6: {  	[dreg:$0x3] =	wrdreg s4  }
0xb7: {  	[dreg:$0x4] =	wrdreg s16  }
0xb8: {  	[dreg:$0x5] =	wrdreg s24  }
0xb9: {  	[dreg:$0x6] =	wrdreg $0x9  }
0xba: {  	_ =	task.clear_ibuf [dreg:s9], $0x7FFFF;
	_ =	strace $0x90000046  }
0xbb: {  	s29 =	simm.s32 $0x9;
	_ =	strace $0x80000048  }
0xbc: {  	_ =	swait.ge [sflag:s29], $0x1  }
0xbd: {  	[sflag:s29] =	ssyncadd.s32 $0xFFFFFFFF  }
0xbe: {  	_ =	strace $0x90000048  }
0xbf: {  	_ =	sfence  }
0xc0: {  	s30 =	sld [smem:$0x0];
	_ =	sdelay $0x2  }
0xc1: {  	s31 =	sshll.u32 s1, $0xD;
	s1 =	sshrl.u32 s1, $0x2  }
0xc2: {  	s3 =	sand.u32 $0x4000, s31;
	s1 =	sadd.s32 s1, s30  }
0xc3: {  	s0 =	sor.u32 s3, s0;
	s1 =	sshll.u32 s1, $0x11  }
0xc4: {  	s0 =	sor.u32 s1, s0  }
0xc5: {  	s0 =	sadd.s32 $0x8F2B, s0  }
0xc6: {  	[sflag:s0] =	ssyncadd.remote.s32 $0x1  }
0xc7: {  	_ =	sfence.sel $0xFFFF  }
0xc8: {  	[dreg:$0x0] =	wrdreg $0xFFFFFFFF;
	(pc) =	sbr.abs _section_cstart, $3  }
0xc9: {  	[dreg:$0x1] =	wrdreg $0xFFFFFFFF  }
0xca: {  	_ =	task.clear_ibuf [dreg:s9], $0x2FFFF;
	_ =	strace $0x9FFFFFFF  }
0xcb: {  	(tm) =	ssettm $0x7FFFFFFF  }
tec
execute0_lowered:
.L_overlay_start_1:
0x0: {  	(tag) =	ssettag $0x1  }
0x1: {  	s4 =	rddreg [dreg:$0x0]  }
0x2: {  	s1 =	rddreg [dreg:$0x1]  }
0x3: {  	s5 =	rddreg [dreg:$0x2]  }
0x4: {  	s6 =	rddreg [dreg:$0x3]  }
0x5: {  	s0 =	rddreg [dreg:$0x4]  }
0x6: {  	s3 =	simm.s32 $0x0;
	s7 =	srdreg.scid;
	s2 =	stileid.u32  }
0x7: {  	s12 =	simm.s32 $0x2400;
	s13 =	simm.s32 $0x2480;
	s14 =	simm.s32 $0x2500  }
0x8: {  	s15 =	simm.s32 $0x0;
	[smem:$0x7FF] =	sst s3;
	s7 =	sand.u32 $0x1, s7  }
0x9: {  	s8 =	sshll.u32 s2, $0x8;
	s9 =	sshrl.u32 s2, $0x2;
	s10 =	sshll.u32 s7, $0x7  }
0xa: {  	s8 =	sand.u32 $0x300, s8;
	_ =	strace $0x80000047;
	s29 =	sshll.u32 s9, $0xA  }
0xb: {  	s7 =	ssub.s32 $0x2, s7;
	s9 =	sshll.u32 s9, $0xD;
	s8 =	sor.u32 s10, s8  }
0xc: {  	s11 =	sshrl.u32 s7, $0x1;
	s10 =	sor.u32 s29, s8;
	s8 =	sor.u32 s9, s8  }
0xd: {  	vm0 =	vmmov $0x1;
	vm1 =	vcmask $0x320;
	s11 =	ssub.s32 s7, s11;
	s9 =	simm.s32 $0x80;
	s10 =	sshrl.u32 s10, $0x3  }
0xe: {  	vm2 =	vcmask $0x720;
	vm3 =	vcmask $0xB20;
	vm4 =	vcmask $0xF20;
	s31 =	sshrl.u32 s8, $0x3;
	s8 =	smax.u32 s11, $0x1;
	s11 =	simm.s32 $0x1  }
0xf: {  	vm5 =	vcmask $0x1320;
	vm6 =	vcmask $0x1720;
	v0 =	vlaneseq.u32;
	s30 =	sadd.s32 s10, s6;
	s4 =	sadd.s32 s4, s31;
	s5 =	sadd.s32 s5, s10  }
0x10: {  	vm7 =	vcmask $0x1B20;
	v2 =	vimm.f32 $0.0e+00;
	v1 =	vor.u32 $0x80000000, v0;
	s10 =	simm.s32 $0x400;
	s6 =	sadd.s32 $0x1400, s30;
	s7 =	sadd.s32 $0x1600, s30  }
.LBB2_1:
0x11: {  	[tilespmem:s3], [sflag:$0x1] =	stream.strided.gather [hbm4b:s4+s9], $0x400, s10, s9, $0x38;
	[tilespmem:$0x2580] =	vst v63  }
0x12: {  	_ =	swait.ge [sflag:s11], $0x400  }
0x13: {  	[sflag:s11] =	ssyncset.done $0x0  }
0x14: {  	[sflag:s11] =	ssyncadd.s32 $0xFFFFFC00  }
0x15: {  	[tilespmem:s10], [sflag:$0x1] =	stream.linear.gather [hbm4b:s1+s3], $0x2000, $0x38;
	[tilespmem:$0x2580] =	vst v63  }
0x16: {  	_ =	swait.ge [sflag:s11], $0x2000  }
0x17: {  	[sflag:s11] =	ssyncset.done $0x0  }
0x18: {  	s16 =	sand.u32 $0x70, s3;
	s17 =	sand.u32 $0x1C00, s3;
	[sflag:s11] =	ssyncadd.s32 $0xFFFFE000  }
0x19: {  	s16 =	sor.u32 s16, s17;
	v4 =	vld [tilespmem:s3+$0x0]  }
0x1a: {  	v5 =	vld [tilespmem:s16+$0x400];
	_ =	sdelay $0x3  }
0x1b: {  	s17 =	simm.s32 $0x80;
	s16 =	simm.s32 $0x10  }
0x1c: {  	s19 =	sand.u32 $0x1C00, s17;
	s18 =	sand.u32 $0x70, s16;
	v3 =	vshrl.u32 v4, $0x10;
	v6 =	vshrl.u32 v5, $0x10  }
0x1d: {  	s19 =	sor.u32 s18, s19;
	v7 =	vand.u32 $0x1, v3;
	v6 =	vand.u32 $0x1, v6;
	v3 =	vld [tilespmem:s16+$0x0]  }
0x1e: {  	v4 =	vadd.s32 v7, v4;
	v6 =	vadd.s32 v6, v5;
	v5 =	vld [tilespmem:s19+$0x400]  }
0x1f: {  	s18 =	simm.s32 $0x20;
	v7 =	vadd.s32 $0x7FFF, v4;
	v6 =	vadd.s32 $0x7FFF, v6;
	v4 =	vimm.f32 $0.0e+00  }
.LBB2_2:
0x20: {  	s19 =	sand.u32 $0x70, s18  }
0x21: {  	s17 =	sadd.s32 $0x80, s17;
	s16 =	sadd.s32 $0x10, s16;
	v7 =	vand.u32 $0xFFFF0000, v7;
	v6 =	vand.u32 $0xFFFF0000, v6;
	p0 =	sne.s32 s18, $0x3F0  }
.Ltmp0:
0x22: {  	s18 =	sadd.s32 $0x10, s18;
	s20 =	sand.u32 $0x1C00, s17;
	v6 =	vmul.f32 v6, v7;
	(pc) =	sbr.rel @p0 .LBB2_2-.Ltmp0, $4  }
0x23: {  	v7 =	vshrl.u32 v3, $0x10;
	v9 =	vmovc v3;
	s19 =	sor.u32 s19, s20;
	v8 =	vshrl.u32 v5, $0x10;
	v3 =	vld [tilespmem:s16+$0x0];
	v10 =	vmov v5  }
0x24: {  	v7 =	vand.u32 $0x1, v7;
	v5 =	vld [tilespmem:s19+$0x400];
	v8 =	vand.u32 $0x1, v8;
	v4 =	vadd.f32 v6, v4  }
0x25: {  	v6 =	vadd.s32 v7, v9;
	v8 =	vadd.s32 v8, v10  }
0x26: {  	v7 =	vadd.s32 $0x7FFF, v6;
	v6 =	vadd.s32 $0x7FFF, v8  }
0x27: {  	s16 =	simm.s32 $0x0  }
0x28: {  	s17 =	sand.u32 $0x70, s16;
	s18 =	sand.u32 $0x1C00, s16  }
0x29: {  	v8 =	vld [tilespmem:s16+$0x0];
	v9 =	vshrl.u32 v3, $0x10;
	s17 =	sor.u32 s17, s18;
	v10 =	vshrl.u32 v5, $0x10  }
0x2a: {  	v7 =	vand.u32 $0xFFFF0000, v7;
	v9 =	vand.u32 $0x1, v9;
	v11 =	vld [tilespmem:s17+$0x480];
	v10 =	vand.u32 $0x1, v10  }
0x2b: {  	v6 =	vand.u32 $0xFFFF0000, v6;
	v3 =	vadd.s32 v9, v3;
	v5 =	vadd.s32 v10, v5  }
0x2c: {  	v6 =	vmul.f32 v6, v7;
	v3 =	vadd.s32 $0x7FFF, v3;
	v5 =	vadd.s32 $0x7FFF, v5  }
0x2d: {  	v3 =	vand.u32 $0xFFFF0000, v3;
	v5 =	vand.u32 $0xFFFF0000, v5  }
0x2e: {  	s19 =	simm.s32 $0x80;
	s18 =	simm.s32 $0x10;
	v4 =	vadd.f32 v6, v4;
	v3 =	vmul.f32 v5, v3  }
0x2f: {  	s21 =	sand.u32 $0x1C00, s19;
	s20 =	sand.u32 $0x70, s18;
	v6 =	vshrl.u32 v8, $0x10;
	v7 =	vshrl.u32 v11, $0x10  }
0x30: {  	s21 =	sor.u32 s20, s21;
	v6 =	vand.u32 $0x1, v6;
	v7 =	vand.u32 $0x1, v7;
	v3 =	vadd.f32 v3, v4;
	v4 =	vld [tilespmem:s18+$0x0]  }
0x31: {  	v5 =	vimm.f32 $0.0e+00;
	v6 =	vadd.s32 v6, v8;
	v8 =	vadd.s32 v7, v11;
	v7 =	vld [tilespmem:s21+$0x480]  }
0x32: {  	s20 =	simm.s32 $0x20;
	v9 =	vadd.s32 $0x7FFF, v6;
	v6 =	vimm.f32 $0.0e+00;
	v8 =	vadd.s32 $0x7FFF, v8  }
.LBB2_4:
0x33: {  	s21 =	sand.u32 $0x70, s20  }
0x34: {  	s19 =	sadd.s32 $0x80, s19;
	s18 =	sadd.s32 $0x10, s18;
	v9 =	vand.u32 $0xFFFF0000, v9;
	v8 =	vand.u32 $0xFFFF0000, v8;
	p0 =	sne.s32 s20, $0x3F0  }
.Ltmp1:
0x35: {  	s20 =	sadd.s32 $0x10, s20;
	s22 =	sand.u32 $0x1C00, s19;
	v8 =	vmul.f32 v8, v9;
	(pc) =	sbr.rel @p0 .LBB2_4-.Ltmp1, $4  }
0x36: {  	v9 =	vshrl.u32 v4, $0x10;
	v11 =	vmovc v4;
	s21 =	sor.u32 s21, s22;
	v10 =	vshrl.u32 v7, $0x10;
	v4 =	vld [tilespmem:s18+$0x0];
	v12 =	vmov v7  }
0x37: {  	v9 =	vand.u32 $0x1, v9;
	v7 =	vld [tilespmem:s21+$0x480];
	v10 =	vand.u32 $0x1, v10;
	v6 =	vadd.f32 v8, v6  }
0x38: {  	v8 =	vadd.s32 v9, v11;
	v10 =	vadd.s32 v10, v12  }
0x39: {  	v9 =	vadd.s32 $0x7FFF, v8;
	v8 =	vadd.s32 $0x7FFF, v10  }
0x3a: {  	v10 =	vld [tilespmem:s16+$0x0]  }
0x3b: {  	v9 =	vand.u32 $0xFFFF0000, v9;
	v12 =	vld [tilespmem:s17+$0x500];
	v11 =	vshrl.u32 v4, $0x10  }
0x3c: {  	v8 =	vand.u32 $0xFFFF0000, v8;
	v13 =	vshrl.u32 v7, $0x10;
	v11 =	vand.u32 $0x1, v11  }
0x3d: {  	v8 =	vmul.f32 v8, v9;
	v4 =	vadd.s32 v11, v4;
	v9 =	vand.u32 $0x1, v13  }
0x3e: {  	v7 =	vadd.s32 v9, v7;
	v4 =	vadd.s32 $0x7FFF, v4  }
0x3f: {  	s16 =	simm.s32 $0x10;
	s17 =	simm.s32 $0x80;
	v8 =	vadd.f32 v8, v6;
	v6 =	vadd.s32 $0x7FFF, v7;
	v4 =	vand.u32 $0xFFFF0000, v4  }
0x40: {  	s18 =	sand.u32 $0x70, s16;
	s19 =	sand.u32 $0x1C00, s17;
	v7 =	vshrl.u32 v10, $0x10;
	v9 =	vshrl.u32 v12, $0x10;
	v6 =	vand.u32 $0xFFFF0000, v6  }
0x41: {  	s19 =	sor.u32 s18, s19;
	v7 =	vand.u32 $0x1, v7;
	v9 =	vand.u32 $0x1, v9;
	v4 =	vmul.f32 v6, v4;
	v6 =	vld [tilespmem:s16+$0x0]  }
0x42: {  	v10 =	vadd.s32 v7, v10;
	v11 =	vadd.s32 v9, v12;
	v7 =	vld [tilespmem:s19+$0x500]  }
0x43: {  	s18 =	simm.s32 $0x20;
	v9 =	vadd.s32 $0x7FFF, v10;
	v4 =	vadd.f32 v4, v8;
	v8 =	vadd.s32 $0x7FFF, v11  }
.LBB2_6:
0x44: {  	s19 =	sand.u32 $0x70, s18  }
0x45: {  	s17 =	sadd.s32 $0x80, s17;
	s16 =	sadd.s32 $0x10, s16;
	v9 =	vand.u32 $0xFFFF0000, v9;
	v8 =	vand.u32 $0xFFFF0000, v8;
	p0 =	sne.s32 s18, $0x3F0  }
.Ltmp2:
0x46: {  	s18 =	sadd.s32 $0x10, s18;
	s20 =	sand.u32 $0x1C00, s17;
	v8 =	vmul.f32 v8, v9;
	(pc) =	sbr.rel @p0 .LBB2_6-.Ltmp2, $4  }
0x47: {  	v9 =	vshrl.u32 v6, $0x10;
	v11 =	vmovc v6;
	s19 =	sor.u32 s19, s20;
	v10 =	vshrl.u32 v7, $0x10;
	v6 =	vld [tilespmem:s16+$0x0];
	v12 =	vmov v7  }
0x48: {  	v9 =	vand.u32 $0x1, v9;
	v7 =	vld [tilespmem:s19+$0x500];
	v10 =	vand.u32 $0x1, v10;
	v5 =	vadd.f32 v8, v5  }
0x49: {  	v8 =	vadd.s32 v9, v11;
	v10 =	vadd.s32 v10, v12  }
0x4a: {  	v9 =	vadd.s32 $0x7FFF, v8;
	v8 =	vadd.s32 $0x7FFF, v10  }
0x4b: {  	s16 =	simm.s32 $0x0  }
0x4c: {  	s17 =	sand.u32 $0x70, s16;
	s18 =	sand.u32 $0x1C00, s16  }
0x4d: {  	v10 =	vld [tilespmem:s16+$0x0];
	v11 =	vshrl.u32 v6, $0x10;
	s17 =	sor.u32 s17, s18;
	v12 =	vshrl.u32 v7, $0x10  }
0x4e: {  	v9 =	vand.u32 $0xFFFF0000, v9;
	v11 =	vand.u32 $0x1, v11;
	v13 =	vld [tilespmem:s17+$0x580];
	v12 =	vand.u32 $0x1, v12  }
0x4f: {  	v8 =	vand.u32 $0xFFFF0000, v8;
	v6 =	vadd.s32 v11, v6;
	v7 =	vadd.s32 v12, v7  }
0x50: {  	v8 =	vmul.f32 v8, v9;
	v6 =	vadd.s32 $0x7FFF, v6;
	v7 =	vadd.s32 $0x7FFF, v7  }
0x51: {  	v6 =	vand.u32 $0xFFFF0000, v6;
	v7 =	vand.u32 $0xFFFF0000, v7  }
0x52: {  	s19 =	simm.s32 $0x80;
	s18 =	simm.s32 $0x10;
	v5 =	vadd.f32 v8, v5;
	v6 =	vmul.f32 v7, v6  }
0x53: {  	s21 =	sand.u32 $0x1C00, s19;
	s20 =	sand.u32 $0x70, s18;
	v8 =	vshrl.u32 v10, $0x10;
	v9 =	vshrl.u32 v13, $0x10  }
0x54: {  	s21 =	sor.u32 s20, s21;
	v8 =	vand.u32 $0x1, v8;
	v9 =	vand.u32 $0x1, v9;
	v5 =	vadd.f32 v6, v5;
	v6 =	vld [tilespmem:s18+$0x0]  }
0x55: {  	v7 =	vimm.f32 $0.0e+00;
	v8 =	vadd.s32 v8, v10;
	v10 =	vadd.s32 v9, v13;
	v9 =	vld [tilespmem:s21+$0x580]  }
0x56: {  	s20 =	simm.s32 $0x20;
	v11 =	vadd.s32 $0x7FFF, v8;
	v8 =	vimm.f32 $0.0e+00;
	v10 =	vadd.s32 $0x7FFF, v10  }
.LBB2_8:
0x57: {  	s21 =	sand.u32 $0x70, s20  }
0x58: {  	s19 =	sadd.s32 $0x80, s19;
	s18 =	sadd.s32 $0x10, s18;
	v11 =	vand.u32 $0xFFFF0000, v11;
	v10 =	vand.u32 $0xFFFF0000, v10;
	p0 =	sne.s32 s20, $0x3F0  }
.Ltmp3:
0x59: {  	s20 =	sadd.s32 $0x10, s20;
	s22 =	sand.u32 $0x1C00, s19;
	v10 =	vmul.f32 v10, v11;
	(pc) =	sbr.rel @p0 .LBB2_8-.Ltmp3, $4  }
0x5a: {  	v11 =	vshrl.u32 v6, $0x10;
	v13 =	vmovc v6;
	s21 =	sor.u32 s21, s22;
	v12 =	vshrl.u32 v9, $0x10;
	v6 =	vld [tilespmem:s18+$0x0];
	v14 =	vmov v9  }
0x5b: {  	v11 =	vand.u32 $0x1, v11;
	v9 =	vld [tilespmem:s21+$0x580];
	v12 =	vand.u32 $0x1, v12;
	v8 =	vadd.f32 v10, v8  }
0x5c: {  	v10 =	vadd.s32 v11, v13;
	v12 =	vadd.s32 v12, v14  }
0x5d: {  	v11 =	vadd.s32 $0x7FFF, v10;
	v10 =	vadd.s32 $0x7FFF, v12  }
0x5e: {  	v12 =	vld [tilespmem:s16+$0x0]  }
0x5f: {  	v11 =	vand.u32 $0xFFFF0000, v11;
	v14 =	vld [tilespmem:s17+$0x600];
	v13 =	vshrl.u32 v6, $0x10  }
0x60: {  	v10 =	vand.u32 $0xFFFF0000, v10;
	v15 =	vshrl.u32 v9, $0x10;
	v13 =	vand.u32 $0x1, v13  }
0x61: {  	v10 =	vmul.f32 v10, v11;
	v6 =	vadd.s32 v13, v6;
	v11 =	vand.u32 $0x1, v15  }
0x62: {  	v9 =	vadd.s32 v11, v9;
	v6 =	vadd.s32 $0x7FFF, v6  }
0x63: {  	s16 =	simm.s32 $0x10;
	s17 =	simm.s32 $0x80;
	v10 =	vadd.f32 v10, v8;
	v8 =	vadd.s32 $0x7FFF, v9;
	v6 =	vand.u32 $0xFFFF0000, v6  }
0x64: {  	s18 =	sand.u32 $0x70, s16;
	s19 =	sand.u32 $0x1C00, s17;
	v9 =	vshrl.u32 v12, $0x10;
	v11 =	vshrl.u32 v14, $0x10;
	v8 =	vand.u32 $0xFFFF0000, v8  }
0x65: {  	s19 =	sor.u32 s18, s19;
	v9 =	vand.u32 $0x1, v9;
	v11 =	vand.u32 $0x1, v11;
	v6 =	vmul.f32 v8, v6;
	v8 =	vld [tilespmem:s16+$0x0]  }
0x66: {  	v12 =	vadd.s32 v9, v12;
	v63 =	vadd.s32 v11, v14;
	v9 =	vld [tilespmem:s19+$0x600]  }
0x67: {  	s18 =	simm.s32 $0x20;
	v11 =	vadd.s32 $0x7FFF, v12;
	v6 =	vadd.f32 v6, v10;
	v10 =	vadd.s32 $0x7FFF, v63  }
.LBB2_10:
0x68: {  	s19 =	sand.u32 $0x70, s18  }
0x69: {  	s17 =	sadd.s32 $0x80, s17;
	s16 =	sadd.s32 $0x10, s16;
	v11 =	vand.u32 $0xFFFF0000, v11;
	v10 =	vand.u32 $0xFFFF0000, v10;
	p0 =	sne.s32 s18, $0x3F0  }
.Ltmp4:
0x6a: {  	s18 =	sadd.s32 $0x10, s18;
	s20 =	sand.u32 $0x1C00, s17;
	v10 =	vmul.f32 v10, v11;
	(pc) =	sbr.rel @p0 .LBB2_10-.Ltmp4, $4  }
0x6b: {  	v11 =	vshrl.u32 v8, $0x10;
	v13 =	vmovc v8;
	s19 =	sor.u32 s19, s20;
	v12 =	vshrl.u32 v9, $0x10;
	v8 =	vld [tilespmem:s16+$0x0];
	v14 =	vmov v9  }
0x6c: {  	v11 =	vand.u32 $0x1, v11;
	v9 =	vld [tilespmem:s19+$0x600];
	v12 =	vand.u32 $0x1, v12;
	v7 =	vadd.f32 v10, v7  }
0x6d: {  	v10 =	vadd.s32 v11, v13;
	v12 =	vadd.s32 v12, v14  }
0x6e: {  	v11 =	vadd.s32 $0x7FFF, v10;
	v10 =	vadd.s32 $0x7FFF, v12  }
0x6f: {  	s16 =	simm.s32 $0x0  }
0x70: {  	s17 =	sand.u32 $0x70, s16;
	s18 =	sand.u32 $0x1C00, s16  }
0x71: {  	v12 =	vld [tilespmem:s16+$0x0];
	v13 =	vshrl.u32 v8, $0x10;
	s17 =	sor.u32 s17, s18;
	v14 =	vshrl.u32 v9, $0x10  }
0x72: {  	v11 =	vand.u32 $0xFFFF0000, v11;
	v13 =	vand.u32 $0x1, v13;
	v15 =	vld [tilespmem:s17+$0x680];
	v14 =	vand.u32 $0x1, v14  }
0x73: {  	v10 =	vand.u32 $0xFFFF0000, v10;
	v8 =	vadd.s32 v13, v8;
	v9 =	vadd.s32 v14, v9  }
0x74: {  	v10 =	vmul.f32 v10, v11;
	v8 =	vadd.s32 $0x7FFF, v8;
	v9 =	vadd.s32 $0x7FFF, v9  }
0x75: {  	v8 =	vand.u32 $0xFFFF0000, v8;
	v9 =	vand.u32 $0xFFFF0000, v9  }
0x76: {  	s19 =	simm.s32 $0x80;
	s18 =	simm.s32 $0x10;
	v7 =	vadd.f32 v10, v7;
	v8 =	vmul.f32 v9, v8  }
0x77: {  	s21 =	sand.u32 $0x1C00, s19;
	s20 =	sand.u32 $0x70, s18;
	v10 =	vshrl.u32 v12, $0x10;
	v11 =	vshrl.u32 v15, $0x10  }
0x78: {  	s21 =	sor.u32 s20, s21;
	v10 =	vand.u32 $0x1, v10;
	v11 =	vand.u32 $0x1, v11;
	v7 =	vadd.f32 v8, v7;
	v8 =	vld [tilespmem:s18+$0x0]  }
0x79: {  	v9 =	vimm.f32 $0.0e+00;
	v10 =	vadd.s32 v10, v12;
	v12 =	vadd.s32 v11, v15;
	v11 =	vld [tilespmem:s21+$0x680]  }
0x7a: {  	s20 =	simm.s32 $0x20;
	v13 =	vadd.s32 $0x7FFF, v10;
	v10 =	vimm.f32 $0.0e+00;
	v12 =	vadd.s32 $0x7FFF, v12  }
.LBB2_12:
0x7b: {  	s21 =	sand.u32 $0x70, s20  }
0x7c: {  	s19 =	sadd.s32 $0x80, s19;
	s18 =	sadd.s32 $0x10, s18;
	v13 =	vand.u32 $0xFFFF0000, v13;
	v12 =	vand.u32 $0xFFFF0000, v12;
	p0 =	sne.s32 s20, $0x3F0  }
.Ltmp5:
0x7d: {  	s20 =	sadd.s32 $0x10, s20;
	s22 =	sand.u32 $0x1C00, s19;
	v12 =	vmul.f32 v12, v13;
	(pc) =	sbr.rel @p0 .LBB2_12-.Ltmp5, $4  }
0x7e: {  	v13 =	vshrl.u32 v8, $0x10;
	v15 =	vmovc v8;
	s21 =	sor.u32 s21, s22;
	v14 =	vshrl.u32 v11, $0x10;
	v8 =	vld [tilespmem:s18+$0x0];
	v16 =	vmov v11  }
0x7f: {  	v13 =	vand.u32 $0x1, v13;
	v11 =	vld [tilespmem:s21+$0x680];
	v14 =	vand.u32 $0x1, v14;
	v10 =	vadd.f32 v12, v10  }
0x80: {  	v12 =	vadd.s32 v13, v15;
	v14 =	vadd.s32 v14, v16  }
0x81: {  	v13 =	vadd.s32 $0x7FFF, v12;
	v12 =	vadd.s32 $0x7FFF, v14  }
0x82: {  	v14 =	vld [tilespmem:s16+$0x0]  }
0x83: {  	v13 =	vand.u32 $0xFFFF0000, v13;
	v16 =	vld [tilespmem:s17+$0x700];
	v15 =	vshrl.u32 v8, $0x10  }
0x84: {  	v12 =	vand.u32 $0xFFFF0000, v12;
	v17 =	vshrl.u32 v11, $0x10;
	v15 =	vand.u32 $0x1, v15  }
0x85: {  	v12 =	vmul.f32 v12, v13;
	v8 =	vadd.s32 v15, v8;
	v13 =	vand.u32 $0x1, v17  }
0x86: {  	v11 =	vadd.s32 v13, v11;
	v8 =	vadd.s32 $0x7FFF, v8  }
0x87: {  	s16 =	simm.s32 $0x10;
	s17 =	simm.s32 $0x80;
	v12 =	vadd.f32 v12, v10;
	v10 =	vadd.s32 $0x7FFF, v11;
	v8 =	vand.u32 $0xFFFF0000, v8  }
0x88: {  	s18 =	sand.u32 $0x70, s16;
	s19 =	sand.u32 $0x1C00, s17;
	v11 =	vshrl.u32 v14, $0x10;
	v13 =	vshrl.u32 v16, $0x10;
	v10 =	vand.u32 $0xFFFF0000, v10  }
0x89: {  	s19 =	sor.u32 s18, s19;
	v11 =	vand.u32 $0x1, v11;
	v13 =	vand.u32 $0x1, v13;
	v8 =	vmul.f32 v10, v8;
	v10 =	vld [tilespmem:s16+$0x0]  }
0x8a: {  	v14 =	vadd.s32 v11, v14;
	v15 =	vadd.s32 v13, v16;
	v11 =	vld [tilespmem:s19+$0x700]  }
0x8b: {  	s18 =	simm.s32 $0x20;
	v13 =	vadd.s32 $0x7FFF, v14;
	v8 =	vadd.f32 v8, v12;
	v12 =	vadd.s32 $0x7FFF, v15  }
.LBB2_14:
0x8c: {  	s19 =	sand.u32 $0x70, s18  }
0x8d: {  	s17 =	sadd.s32 $0x80, s17;
	s16 =	sadd.s32 $0x10, s16;
	v13 =	vand.u32 $0xFFFF0000, v13;
	v12 =	vand.u32 $0xFFFF0000, v12;
	p0 =	sne.s32 s18, $0x3F0  }
.Ltmp6:
0x8e: {  	s18 =	sadd.s32 $0x10, s18;
	s20 =	sand.u32 $0x1C00, s17;
	v12 =	vmul.f32 v12, v13;
	(pc) =	sbr.rel @p0 .LBB2_14-.Ltmp6, $4  }
0x8f: {  	v13 =	vshrl.u32 v10, $0x10;
	v15 =	vmovc v10;
	s19 =	sor.u32 s19, s20;
	v14 =	vshrl.u32 v11, $0x10;
	v10 =	vld [tilespmem:s16+$0x0];
	v16 =	vmov v11  }
0x90: {  	v13 =	vand.u32 $0x1, v13;
	v11 =	vld [tilespmem:s19+$0x700];
	v14 =	vand.u32 $0x1, v14;
	v9 =	vadd.f32 v12, v9  }
0x91: {  	v12 =	vadd.s32 v13, v15;
	v14 =	vadd.s32 v14, v16  }
0x92: {  	v13 =	vadd.s32 $0x7FFF, v12;
	v12 =	vadd.s32 $0x7FFF, v14  }
0x93: {  	s16 =	simm.s32 $0x0  }
0x94: {  	s17 =	sor.u32 s16, s16  }
0x95: {  	v14 =	vld [tilespmem:s16+$0x0];
	s29 =	sor.u32 $0x380, s17  }
0x96: {  	v13 =	vand.u32 $0xFFFF0000, v13;
	v15 =	vshrl.u32 v10, $0x10;
	v16 =	vld [tilespmem:s29+$0x400]  }
0x97: {  	v12 =	vand.u32 $0xFFFF0000, v12;
	v17 =	vshrl.u32 v11, $0x10;
	v15 =	vand.u32 $0x1, v15  }
0x98: {  	v12 =	vmul.f32 v12, v13;
	v13 =	vand.u32 $0x1, v17;
	v10 =	vadd.s32 v15, v10  }
0x99: {  	v11 =	vadd.s32 v13, v11;
	v10 =	vadd.s32 $0x7FFF, v10  }
0x9a: {  	v9 =	vadd.f32 v12, v9;
	v11 =	vadd.s32 $0x7FFF, v11;
	v10 =	vand.u32 $0xFFFF0000, v10  }
0x9b: {  	s30 =	simm.s32 $0x10;
	s31 =	simm.s32 $0x80;
	v11 =	vand.u32 $0xFFFF0000, v11;
	v12 =	vshrl.u32 v14, $0x10;
	v13 =	vshrl.u32 v16, $0x10  }
0x9c: {  	s17 =	sor.u32 s31, s30;
	v10 =	vmul.f32 v11, v10;
	v11 =	vand.u32 $0x1, v12;
	v12 =	vand.u32 $0x1, v13  }
0x9d: {  	s17 =	sor.u32 $0x380, s17;
	v13 =	vadd.s32 v11, v14;
	v11 =	vld [tilespmem:s30+$0x0];
	v12 =	vadd.s32 v12, v16  }
0x9e: {  	v14 =	vadd.s32 $0x7FFF, v12;
	v12 =	vld [tilespmem:s17+$0x400];
	_ =	sdelay $0x1  }
0x9f: {  	v9 =	vadd.f32 v10, v9;
	v13 =	vadd.s32 $0x7FFF, v13  }
0xa0: {  	s18 =	simm.s32 $0x20;
	s16 =	simm.s32 $0x20;
	v10 =	vimm.f32 $0.0e+00;
	s17 =	simm.s32 $0x100;
	v13 =	vand.u32 $0xFFFF0000, v13;
	v14 =	vand.u32 $0xFFFF0000, v14  }
.LBB2_16:
0xa1: {  	s19 =	sor.u32 s17, s16;
	p0 =	sne.s32 s16, $0x3F0;
	s16 =	sadd.s32 $0x10, s16;
	v13 =	vmul.f32 v14, v13;
	v14 =	vmov v11  }
.Ltmp7:
0xa2: {  	v11 =	vld [tilespmem:s18+$0x0];
	s19 =	sor.u32 $0x380, s19;
	v15 =	vshrl.u32 v14, $0x10;
	v16 =	vshrl.u32 v12, $0x10;
	v17 =	vmov v12;
	(pc) =	sbr.rel @p0 .LBB2_16-.Ltmp7, $4  }
0xa3: {  	v12 =	vld [tilespmem:s19+$0x400];
	v15 =	vand.u32 $0x1, v15;
	v16 =	vand.u32 $0x1, v16;
	v10 =	vadd.f32 v13, v10  }
0xa4: {  	v13 =	vadd.s32 v15, v14;
	v14 =	vadd.s32 v16, v17  }
0xa5: {  	v13 =	vadd.s32 $0x7FFF, v13;
	v14 =	vadd.s32 $0x7FFF, v14  }
0xa6: {  	s17 =	sadd.s32 $0x80, s17;
	s18 =	sadd.s32 $0x10, s18;
	v13 =	vand.u32 $0xFFFF0000, v13;
	v14 =	vand.u32 $0xFFFF0000, v14  }
0xa7: {  	_ = 	snop  }
0xa8: {  	v15 =	vshrl.u32 v11, $0x10;
	v16 =	vshrl.u32 v12, $0x10  }
0xa9: {  	v15 =	vand.u32 $0x1, v15;
	v16 =	vand.u32 $0x1, v16  }
0xaa: {  	(xrf2) =	vadd.scan.msk.f32 $0xffff, v3;
	v43 =	vadd.s32 v15, v11;
	v44 =	vadd.s32 v16, v12  }
0xab: {  	v3 =	vmul.f32 v14, v13;
	(xrf2) =	vadd.scan.msk.f32 $0xffff, v4;
	v11 =	vadd.s32 $0x7FFF, v43;
	v12 =	vadd.s32 $0x7FFF, v44  }
0xac: {  	(xrf2) =	vadd.scan.msk.f32 $0xffff, v5;
	v45 =	vand.u32 $0xFFFF0000, v11;
	v46 =	vand.u32 $0xFFFF0000, v12  }
0xad: {  	v3 =	vadd.f32 v3, v10;
	(xrf2) =	vadd.scan.msk.f32 $0xffff, v6;
	v4 =	vmul.f32 v46, v45  }
0xae: {  	(xrf2) =	vadd.scan.msk.f32 $0xffff, v7  }
0xaf: {  	(xrf2) =	vadd.scan.msk.f32 $0xffff, v8;
	v3 =	vadd.f32 v4, v3  }
0xb0: {  	(xrf2) =	vadd.scan.msk.f32 $0xffff, v9  }
0xb1: {  	(xrf2) =	vadd.scan.msk.f32 $0xffff, v3;
	_ =	sdelay $0x2  }
0xb2: {  	v3, _, _ =	vpop (xrf2)  }
0xb3: {  	v47, _, _ =	vpop (xrf2);
	v3 =	vbroadcast v3, $0xF  }
0xb4: {  	v5, _, _ =	vpop (xrf2);
	v4 =	vbroadcast v47, $0xF  }
0xb5: {  	v6, _, _ =	vpop (xrf2);
	v3 =	vnsel vm0, $0xF149F2CA, v3;
	v5 =	vbroadcast v5, $0xF  }
0xb6: {  	v7, _, _ =	vpop (xrf2);
	v3 =	vsel vm1, v3, v4;
	v48 =	vbroadcast v6, $0xF  }
0xb7: {  	v49, _, _ =	vpop (xrf2);
	v3 =	vsel vm2, v3, v5;
	v50 =	vbroadcast v7, $0xF  }
0xb8: {  	v51, _, _ =	vpop (xrf2);
	v3 =	vsel vm3, v3, v48;
	v52 =	vbroadcast v49, $0xF  }
0xb9: {  	v3 =	vsel vm4, v3, v50;
	v53 =	vbroadcast v51, $0xF;
	v54, _, _ =	vpop (xrf2)  }
0xba: {  	v3 =	vsel vm5, v3, v52;
	v55 =	vbroadcast v54, $0xF  }
0xbb: {  	v3 =	vsel vm6, v3, v53  }
0xbc: {  	v3 =	vsel vm7, v3, v55  }
0xbd: {  	(xrf0) =	vmax.scan.msk.f32 $0xffff, v3;
	_ =	sdelay $0x5  }
0xbe: {  	v56, _, _ =	vpop (xrf0)  }
0xbf: {  	v4 =	vbroadcast v56, $0xF;
	_ =	sdelay $0x1  }
0xc0: {  	vm8 =	veq.f32 v3, v4  }
0xc1: {  	v57 =	vnsel vm8, $0x80000010, v1  }
0xc2: {  	(xrf0) =	vmin.scan.msk.u32 $0xffff, v57;
	_ =	sdelay $0x5  }
0xc3: {  	v5, _, _ =	vpop (xrf0)  }
0xc4: {  	(v2sf) =	vpush v5, $0xF;
	_ =	sdelay $0xe  }
0xc5: {  	s16 =	spop (v2sf)  }
0xc6: {  	s16 =	sxor.u32 $0x80000000, s16  }
0xc7: {  	v58 =	vmov s16  }
0xc8: {  	vm8 =	veq.s32 v58, v0  }
0xc9: {  	v5 =	vsel vm8, $0xF149F2CA, v3  }
0xca: {  	v3 =	vsub.f32 v3, v4;
	(xrf0) =	vmax.scan.msk.f32 $0xffff, v5;
	_ =	sdelay $0x1  }
0xcb: {  	v3 =	vmul.f32 $1.442695020e+00, v3;
	_ =	sdelay $0x1  }
0xcc: {  	(erf) = vpow2.f32 v3;
	_ =	sdelay $0x1  }
0xcd: {  	v3, _, _ =	vpop (xrf0)  }
0xce: {  	v3 =	vbroadcast v3, $0xF;
	_ =	sdelay $0x1  }
0xcf: {  	vm9 =	veq.f32 v5, v3  }
0xd0: {  	v3 =	vnsel vm9, $0x80000010, v1;
	_ =	sdelay $0x1  }
0xd1: {  	(xrf0) =	vmin.scan.msk.u32 $0xffff, v3  }
0xd2: {  	v3 =	vpop (erf)  }
0xd3: {  	(xrf2) =	vadd.scan.msk.f32 $0xffff, v3;
	_ =	sdelay $0x3  }
0xd4: {  	v59, _, _ =	vpop (xrf0)  }
0xd5: {  	(v2sf) =	vpush v59, $0xF;
	_ =	sdelay $0x4  }
0xd6: {  	v60, _, _ =	vpop (xrf2)  }
0xd7: {  	v4 =	vbroadcast v60, $0xF;
	_ =	sdelay $0x1  }
0xd8: {  	(erf) = vrcp.f32 v4;
	_ =	sdelay $0x6  }
0xd9: {  	s31 =	spop (v2sf)  }
0xda: {  	s16 =	sxor.u32 $0x80000000, s31  }
0xdb: {  	v61 =	vmov s16;
	v62 =	vpop (erf)  }
0xdc: {  	vm15 =	veq.s32 v61, v0;
	v3 =	vmul.f32 v62, v3  }
0xdd: {  	vm8 =	vmor vm8, vm15  }
0xde: {  	v63 =	vnsel vm8, $0x0, v3  }
0xdf: {  	(xrf2) =	vadd.scan.msk.f32 $0xffff, v63;
	_ =	sdelay $0x9  }
0xe0: {  	v4, _, _ =	vpop (xrf2)  }
0xe1: {  	v4 =	vbroadcast v4, $0xF;
	_ =	sdelay $0x1  }
0xe2: {  	(erf) = vrcp.f32 v4;
	_ =	sdelay $0x8  }
0xe3: {  	v4 =	vpop (erf)  }
0xe4: {  	v4 =	vmul.f32 v4, v3  }
0xe5: {  	[tilespmem:$0x2480] =	vst v3;
	v3 =	vsel vm8, $0x3F800000, v2  }
0xe6: {  	[tilespmem:$0x2500] =	vst v3;
	v4 =	vnsel vm8, $0x0, v4  }
0xe7: {  	[tilespmem:$0x2400] =	vst v4  }
0xe8: {  	[hbm4b:s5+s3] =	stream.linear.scatter [tilespmem:s12], [sflag:$0x1], $0x80, $0x38;
	[tilespmem:$0x2580] =	vst v63  }
0xe9: {  	_ =	swait.ge [sflag:s11], $0x80  }
0xea: {  	[sflag:s11] =	ssyncset.done $0x0  }
0xeb: {  	[sflag:s11] =	ssyncadd.s32 $0xFFFFFF80  }
0xec: {  	[hbm4b:s6+s3] =	stream.linear.scatter [tilespmem:s13], [sflag:$0x1], $0x80, $0x38;
	[tilespmem:$0x2580] =	vst v63  }
0xed: {  	s15 =	sadd.s32 $0x1, s15;
	_ =	swait.ge [sflag:s11], $0x80  }
0xee: {  	p0 =	sne.s32 s15, s8;
	[sflag:s11] =	ssyncset.done $0x0  }
.Ltmp8:
0xef: {  	[sflag:s11] =	ssyncadd.s32 $0xFFFFFF80;
	(pc) =	sbr.rel @p0 .LBB2_1-.Ltmp8, $4  }
0xf0: {  	[hbm4b:s7+s3] =	stream.linear.scatter [tilespmem:s14], [sflag:$0x1], $0x80, $0x38;
	[tilespmem:$0x2580] =	vst v63  }
0xf1: {  	_ =	swait.ge [sflag:s11], $0x80  }
0xf2: {  	[sflag:s11] =	ssyncset.done $0x0  }
0xf3: {  	[sflag:s11] =	ssyncadd.s32 $0xFFFFFF80  }
0xf4: {  	_ =	sfence.sel $0x180000  }
0xf5: {  	[bflag:$0x0] =	sbarrier.arrive $0xFFFF  }
0xf6: {  	p0 =	sne.s32 s2, $0x0;
	_ =	strace $0x90000047  }
0xf7: {  	s0 =	sadd.s32 @!p0 $0x100000, s0;
	[bflag:$0x2] =	sbarrier.arrive $0xFFFF  }
0xf8: {  	[sflag:s0] =	ssyncadd.tile.s32 @!p0 $0x1;
	_ =	shalt  }
.Lfunc_end2:
_tile_overlayer_lowered:
.L_overlay_start_2:
0xf9: {  	(tag) =	ssettag $0x2  }
0xfa: {  	s0 =	rddreg [dreg:$0x0];
	s2 =	stileid.u32  }
0xfb: {  	s1 =	rddreg [dreg:$0x1];
	p0 =	sne.s32 s2, $0x0  }
0xfc: {  	s3 =	rddreg [dreg:$0x2];
	[bflag:$0x3] =	sbarrier.arrive $0xFFFF;
	s2 =	simm.s32 @!p0 $0x1C01  }
0xfd: {  	[timem:s3], [sflag:s2] =	dma.local @!p0 [hbm:s0], s1  }
0xfe: {  	s0 =	simm.s32 @!p0 $0x1  }
0xff: {  	_ =	swait.ge @!p0 [sflag:s0], s1  }
0x100: {  	s1 =	ssub.s32 @!p0 $0x0, s1;
	[sflag:s0] =	ssyncset.done @!p0 $0x0  }
0x101: {  	[sflag:s0] =	ssyncadd.s32 @!p0 s1  }
0x102: {  	[bflag:$0x3] =	sbarrier.arrive $0xFFFF  }
0x103: {  	_ =	shalt  }

</sc_bundles>
